<compile_context>
chip_gen: v7x
topology: tpu7x:2x2x1
jax: 0.10.2.dev20260603
libtpu: 0.0.44.dev20260713+nightly
codegen_flags: <defaults>
</compile_context>

<pallas_src>
import functools

import jax
import jax.numpy as jnp
import numpy as np
from jax import lax
from jax.experimental import pallas as pl
from jax.experimental.pallas import tpu as pltpu
from jax.experimental.pallas import tpu_sc as plsc

_FIELDS = 26
_BATCH = 16384
_TABLE = 2600000

_NC, _NS = 2, 16
_FPC = _FIELDS // _NC
_HALF = _TABLE // _NC
_BPW = _BATCH // _NS
_CHUNK = _FPC * _BPW
_PRE = 4

_SPM = 1300096
_W1 = 1299968
_STG = 81280

_OFFS = np.where(
    np.arange(_FIELDS) < _FPC,
    np.arange(_FIELDS) * 100000,
    (np.arange(_FIELDS) - _FPC) * 100000 + (_HALF - _W1),
).astype(np.int32)

_SIDE_OFF = 2599808
_SIDE_DST = _SIDE_OFF - _W1
_SIDE_LEN = _TABLE - _SIDE_OFF


def _sc_call(idx, table_row):
    mesh = plsc.VectorSubcoreMesh(core_axis_name="c", subcore_axis_name="s")

    @functools.partial(
        pl.kernel,
        out_type=jax.ShapeDtypeStruct((_NC, _BATCH), jnp.float32),
        mesh=mesh,
        scratch_types=[
            pltpu.VMEM_SHARED((_SPM,), jnp.float32),
            pltpu.VMEM((_CHUNK,), jnp.int32),
            pltpu.VMEM((_CHUNK,), jnp.float32),
            pltpu.VMEM((_BPW,), jnp.float32),
            pltpu.VMEM((_SIDE_LEN,), jnp.float32),
            pltpu.SemaphoreType.DMA,
            pltpu.SemaphoreType.DMA,
        ],
    )
    def k(idx_hbm, tab_hbm, out_hbm, shared, idx_v, vals_v, acc_v, tail_v,
          sem, sem_pre):
        cid = lax.axis_index("c")
        sid = lax.axis_index("s")
        tab_flat = tab_hbm.at[0]

        hbm_win = tab_flat.at[pl.ds(cid * _W1, _HALF + (_HALF - _W1))]

        for j in range(_FPC):
            pltpu.async_copy(
                idx_hbm.at[cid * _FPC + j].at[pl.ds(sid * _BPW, _BPW)],
                idx_v.at[pl.ds(j * _BPW, _BPW)],
                sem_pre if j < _PRE else sem,
            )

        pltpu.make_async_copy(
            idx_hbm.at[0].at[pl.ds(0, _PRE * _BPW)],
            idx_v.at[pl.ds(0, _PRE * _BPW)],
            sem_pre,
        ).wait()
        for j in range(_PRE):
            pltpu.async_copy(
                hbm_win.at[idx_v.at[pl.ds(j * _BPW, _BPW)]],
                vals_v.at[pl.ds(j * _BPW, _BPW)],
                sem_pre,
            )

        src0 = cid * _W1 + sid * _STG

        @pl.when(sid < _NS - 1)
        def _stage_main():
            pltpu.sync_copy(
                tab_flat.at[pl.ds(src0, _STG)],
                shared.at[pl.ds(sid * _STG, _STG)],
            )

        @pl.when(jnp.logical_and(sid == _NS - 1, cid == 0))
        def _stage15_c0():
            pltpu.sync_copy(
                tab_flat.at[pl.ds(15 * _STG, _SPM - 15 * _STG)],
                shared.at[pl.ds(15 * _STG, _SPM - 15 * _STG)],
            )

        @pl.when(jnp.logical_and(sid == _NS - 1, cid == 1))
        def _stage15_c1():
            pltpu.sync_copy(
                tab_flat.at[pl.ds(_W1 + 15 * _STG, _W1 - 15 * _STG)],
                shared.at[pl.ds(15 * _STG, _W1 - 15 * _STG)],
            )

        @pl.when(jnp.logical_and(sid == 0, cid == 1))
        def _stage_tail():
            pltpu.sync_copy(tab_flat.at[pl.ds(_SIDE_OFF, _SIDE_LEN)], tail_v)
            pltpu.sync_copy(tail_v, shared.at[pl.ds(_SIDE_DST, _SIDE_LEN)])

        pltpu.make_async_copy(
            idx_hbm.at[0].at[pl.ds(_PRE * _BPW, _CHUNK - _PRE * _BPW)],
            idx_v.at[pl.ds(_PRE * _BPW, _CHUNK - _PRE * _BPW)],
            sem,
        ).wait()

        plsc.subcore_barrier()

        for j in range(_PRE, _FPC):
            pltpu.async_copy(
                shared.at[idx_v.at[pl.ds(j * _BPW, _BPW)]],
                vals_v.at[pl.ds(j * _BPW, _BPW)],
                sem,
            )
        pltpu.make_async_copy(
            shared.at[idx_v.at[pl.ds(_PRE * _BPW, _CHUNK - _PRE * _BPW)]],
            vals_v.at[pl.ds(_PRE * _BPW, _CHUNK - _PRE * _BPW)],
            sem,
        ).wait()
        pltpu.make_async_copy(
            hbm_win.at[idx_v.at[pl.ds(0, _PRE * _BPW)]],
            vals_v.at[pl.ds(0, _PRE * _BPW)],
            sem_pre,
        ).wait()

        def reduce_col(col16, _):
            col = col16 * 16
            acc = vals_v[pl.ds(col, 16)]
            for j in range(1, _FPC):
                acc = acc + vals_v[pl.ds(j * _BPW + col, 16)]
            acc_v[pl.ds(col, 16)] = acc
            return 0
        lax.fori_loop(0, _BPW // 16, reduce_col, 0)

        pltpu.sync_copy(acc_v, out_hbm.at[cid].at[pl.ds(sid * _BPW, _BPW)])

    return k(idx, table_row)


def kernel(x, table, bias):
    offs = jnp.asarray(_OFFS, dtype=x.dtype)
    idx = (x + offs).astype(jnp.int32).T
    table_row = jnp.transpose(table, (1, 0))
    partials = _sc_call(idx, table_row)
    return partials[0] + partials[1] + bias.astype(jnp.float32)[0]

# --- scband reference (transcript-rebuilt; emitter-appended) ---
"""Pipeline reference for scband-lr-81020263071810 (READ-ONLY COPY).

The authoritative reference and input builder live on the scoring server;
editing this copy changes nothing except your own understanding.
"""

import jax, jax.numpy as jnp
import numpy as np

FIELD_DIMS = [100000] * 26
OFFSETS = np.array((0, *np.cumsum(FIELD_DIMS)[:-1]), dtype=np.int32)


def setup_inputs(seed: int = 0) -> dict:
    key = jax.random.key(seed)
    k1, k2 = jax.random.split(key, 2)
    x = jax.random.randint(k1, (16384, 26), 0, 100000)
    table = jax.random.normal(k2, (int(sum(FIELD_DIMS)), 1), dtype=jnp.float32) * 0.01
    bias = jnp.zeros((1,), dtype=jnp.float32)
    return {"x": x, "table": table, "bias": bias}


def reference(x, table, bias):
    # FeaturesLinear: offset each field's raw index into the shared table,
    # gather 1-dim embeddings, sum over fields, add bias, squeeze.
    idx = x + jnp.asarray(OFFSETS, dtype=x.dtype)           # [B, F]
    emb = jnp.take(table, idx, axis=0)                       # [B, F, 1]
    score = jnp.sum(emb, axis=1) + bias                      # [B, 1]
    return jnp.squeeze(score, axis=1)                        # [B]

if __name__ == "__main__":
    import jax
    _d = setup_inputs()
    print(jax.jit(kernel)(*tuple(_d.values())))

</pallas_src>

<mosaic_0001>
#map = affine_map<(d0, d1) -> (0, 0)>
module attributes {stable_mosaic.version = 14 : i64} {
  func.func @k(%arg0: i32, %arg1: i32, %arg2: memref<26x16384xi32, #tpu.memory_space<hbm>>, %arg3: memref<1x2600000xf32, #tpu.memory_space<hbm>>, %arg4: memref<2x16384xf32, #tpu.memory_space<hbm>>, %arg5: memref<1300096xf32, #tpu.memory_space<vmem_shared>>, %arg6: memref<13312xi32, #tpu.memory_space<vmem>>, %arg7: memref<13312xf32, #tpu.memory_space<vmem>>, %arg8: memref<1024xf32, #tpu.memory_space<vmem>>, %arg9: memref<192xf32, #tpu.memory_space<vmem>>, %arg10: memref<!tpu.dma_semaphore, #tpu.memory_space<semaphore_mem>>, %arg11: memref<!tpu.dma_semaphore, #tpu.memory_space<semaphore_mem>>) attributes {dimension_semantics = [#tpu.dimension_semantics<core_parallel>, #tpu.dimension_semantics<subcore_parallel>], iteration_bounds = array<i64: 2, 16>, scalar_prefetch = 0 : i64, scratch_operands = 7 : i64, tpu.core_type = #tpu.core_type<sc_vector_subcore>, window_params = [{transform_indices = #map}, {transform_indices = #map}, {transform_indices = #map}]} {
    %mul3A = arith.constant 1299968 : i32
    %mul3A_0 = arith.muli %arg0, %mul3A : i32
    %mul3A_1 = arith.constant 13 : i32
    %mul3A_2 = arith.muli %arg0, %mul3A_1 : i32
    %add3A = arith.constant 0 : i32
    %add3A_3 = arith.addi %mul3A_2, %add3A : i32
    %mul3A_4 = arith.constant 1024 : i32
    %mul3A_5 = arith.muli %arg1, %mul3A_4 : i32
    %dma_start3A = arith.constant 0 : i32
    %dma_start3A_6 = tpu.memref_slice %arg6[%dma_start3A] : memref<13312xi32, #tpu.memory_space<vmem>> -> memref<1024xi32, #tpu.memory_space<vmem>>
    %dma_start3A_7 = arith.constant 0 : i32
    %dma_start3A_8 = tpu.memref_slice %arg2[%add3A_3, %dma_start3A_7] : memref<26x16384xi32, #tpu.memory_space<hbm>> -> memref<1x16384xi32, #tpu.memory_space<hbm>>
    %dma_start3A_9 = tpu.memref_squeeze %dma_start3A_8 : memref<1x16384xi32, #tpu.memory_space<hbm>> -> memref<16384xi32, #tpu.memory_space<hbm>>
    %dma_start3A_10 = tpu.memref_slice %dma_start3A_9[%mul3A_5] : memref<16384xi32, #tpu.memory_space<hbm>> -> memref<1024xi32, #tpu.memory_space<hbm>>
    %dma_start3A_11 = arith.constant 0 : i32
    %dma_start3A_12 = tpu.memref_slice %arg6[%dma_start3A_11] : memref<13312xi32, #tpu.memory_space<vmem>> -> memref<1024xi32, #tpu.memory_space<vmem>>
    %dma_start3A_13 = arith.constant 0 : i32
    %dma_start3A_14 = tpu.memref_slice %arg2[%add3A_3, %dma_start3A_13] : memref<26x16384xi32, #tpu.memory_space<hbm>> -> memref<1x16384xi32, #tpu.memory_space<hbm>>
    %dma_start3A_15 = tpu.memref_squeeze %dma_start3A_14 : memref<1x16384xi32, #tpu.memory_space<hbm>> -> memref<16384xi32, #tpu.memory_space<hbm>>
    %dma_start3A_16 = tpu.memref_slice %dma_start3A_15[%mul3A_5] : memref<16384xi32, #tpu.memory_space<hbm>> -> memref<1024xi32, #tpu.memory_space<hbm>>
    tpu.enqueue_dma source(%dma_start3A_16 : memref<1024xi32, #tpu.memory_space<hbm>>) target(%dma_start3A_12 : memref<1024xi32, #tpu.memory_space<vmem>>) target_semaphore(%arg11 : memref<!tpu.dma_semaphore, #tpu.memory_space<semaphore_mem>>)
    %mul3A_17 = arith.constant 13 : i32
    %mul3A_18 = arith.muli %arg0, %mul3A_17 : i32
    %add3A_19 = arith.constant 1 : i32
    %add3A_20 = arith.addi %mul3A_18, %add3A_19 : i32
    %mul3A_21 = arith.constant 1024 : i32
    %mul3A_22 = arith.muli %arg1, %mul3A_21 : i32
    %dma_start3A_23 = arith.constant 1024 : i32
    %dma_start3A_24 = tpu.memref_slice %arg6[%dma_start3A_23] : memref<13312xi32, #tpu.memory_space<vmem>> -> memref<1024xi32, #tpu.memory_space<vmem>>
    %dma_start3A_25 = arith.constant 0 : i32
    %dma_start3A_26 = tpu.memref_slice %arg2[%add3A_20, %dma_start3A_25] : memref<26x16384xi32, #tpu.memory_space<hbm>> -> memref<1x16384xi32, #tpu.memory_space<hbm>>
    %dma_start3A_27 = tpu.memref_squeeze %dma_start3A_26 : memref<1x16384xi32, #tpu.memory_space<hbm>> -> memref<16384xi32, #tpu.memory_space<hbm>>
    %dma_start3A_28 = tpu.memref_slice %dma_start3A_27[%mul3A_22] : memref<16384xi32, #tpu.memory_space<hbm>> -> memref<1024xi32, #tpu.memory_space<hbm>>
    %dma_start3A_29 = arith.constant 1024 : i32
    %dma_start3A_30 = tpu.memref_slice %arg6[%dma_start3A_29] : memref<13312xi32, #tpu.memory_space<vmem>> -> memref<1024xi32, #tpu.memory_space<vmem>>
    %dma_start3A_31 = arith.constant 0 : i32
    %dma_start3A_32 = tpu.memref_slice %arg2[%add3A_20, %dma_start3A_31] : memref<26x16384xi32, #tpu.memory_space<hbm>> -> memref<1x16384xi32, #tpu.memory_space<hbm>>
    %dma_start3A_33 = tpu.memref_squeeze %dma_start3A_32 : memref<1x16384xi32, #tpu.memory_space<hbm>> -> memref<16384xi32, #tpu.memory_space<hbm>>
    %dma_start3A_34 = tpu.memref_slice %dma_start3A_33[%mul3A_22] : memref<16384xi32, #tpu.memory_space<hbm>> -> memref<1024xi32, #tpu.memory_space<hbm>>
    tpu.enqueue_dma source(%dma_start3A_34 : memref<1024xi32, #tpu.memory_space<hbm>>) target(%dma_start3A_30 : memref<1024xi32, #tpu.memory_space<vmem>>) target_semaphore(%arg11 : memref<!tpu.dma_semaphore, #tpu.memory_space<semaphore_mem>>)
    %mul3A_35 = arith.constant 13 : i32
    %mul3A_36 = arith.muli %arg0, %mul3A_35 : i32
    %add3A_37 = arith.constant 2 : i32
    %add3A_38 = arith.addi %mul3A_36, %add3A_37 : i32
    %mul3A_39 = arith.constant 1024 : i32
    %mul3A_40 = arith.muli %arg1, %mul3A_39 : i32
    %dma_start3A_41 = arith.constant 2048 : i32
    %dma_start3A_42 = tpu.memref_slice %arg6[%dma_start3A_41] : memref<13312xi32, #tpu.memory_space<vmem>> -> memref<1024xi32, #tpu.memory_space<vmem>>
    %dma_start3A_43 = arith.constant 0 : i32
    %dma_start3A_44 = tpu.memref_slice %arg2[%add3A_38, %dma_start3A_43] : memref<26x16384xi32, #tpu.memory_space<hbm>> -> memref<1x16384xi32, #tpu.memory_space<hbm>>
    %dma_start3A_45 = tpu.memref_squeeze %dma_start3A_44 : memref<1x16384xi32, #tpu.memory_space<hbm>> -> memref<16384xi32, #tpu.memory_space<hbm>>
    %dma_start3A_46 = tpu.memref_slice %dma_start3A_45[%mul3A_40] : memref<16384xi32, #tpu.memory_space<hbm>> -> memref<1024xi32, #tpu.memory_space<hbm>>
    %dma_start3A_47 = arith.constant 2048 : i32
    %dma_start3A_48 = tpu.memref_slice %arg6[%dma_start3A_47] : memref<13312xi32, #tpu.memory_space<vmem>> -> memref<1024xi32, #tpu.memory_space<vmem>>
    %dma_start3A_49 = arith.constant 0 : i32
    %dma_start3A_50 = tpu.memref_slice %arg2[%add3A_38, %dma_start3A_49] : memref<26x16384xi32, #tpu.memory_space<hbm>> -> memref<1x16384xi32, #tpu.memory_space<hbm>>
    %dma_start3A_51 = tpu.memref_squeeze %dma_start3A_50 : memref<1x16384xi32, #tpu.memory_space<hbm>> -> memref<16384xi32, #tpu.memory_space<hbm>>
    %dma_start3A_52 = tpu.memref_slice %dma_start3A_51[%mul3A_40] : memref<16384xi32, #tpu.memory_space<hbm>> -> memref<1024xi32, #tpu.memory_space<hbm>>
    tpu.enqueue_dma source(%dma_start3A_52 : memref<1024xi32, #tpu.memory_space<hbm>>) target(%dma_start3A_48 : memref<1024xi32, #tpu.memory_space<vmem>>) target_semaphore(%arg11 : memref<!tpu.dma_semaphore, #tpu.memory_space<semaphore_mem>>)
    %mul3A_53 = arith.constant 13 : i32
    %mul3A_54 = arith.muli %arg0, %mul3A_53 : i32
    %add3A_55 = arith.constant 3 : i32
    %add3A_56 = arith.addi %mul3A_54, %add3A_55 : i32
    %mul3A_57 = arith.constant 1024 : i32
    %mul3A_58 = arith.muli %arg1, %mul3A_57 : i32
    %dma_start3A_59 = arith.constant 3072 : i32
    %dma_start3A_60 = tpu.memref_slice %arg6[%dma_start3A_59] : memref<13312xi32, #tpu.memory_space<vmem>> -> memref<1024xi32, #tpu.memory_space<vmem>>
    %dma_start3A_61 = arith.constant 0 : i32
    %dma_start3A_62 = tpu.memref_slice %arg2[%add3A_56, %dma_start3A_61] : memref<26x16384xi32, #tpu.memory_space<hbm>> -> memref<1x16384xi32, #tpu.memory_space<hbm>>
    %dma_start3A_63 = tpu.memref_squeeze %dma_start3A_62 : memref<1x16384xi32, #tpu.memory_space<hbm>> -> memref<16384xi32, #tpu.memory_space<hbm>>
    %dma_start3A_64 = tpu.memref_slice %dma_start3A_63[%mul3A_58] : memref<16384xi32, #tpu.memory_space<hbm>> -> memref<1024xi32, #tpu.memory_space<hbm>>
    %dma_start3A_65 = arith.constant 3072 : i32
    %dma_start3A_66 = tpu.memref_slice %arg6[%dma_start3A_65] : memref<13312xi32, #tpu.memory_space<vmem>> -> memref<1024xi32, #tpu.memory_space<vmem>>
    %dma_start3A_67 = arith.constant 0 : i32
    %dma_start3A_68 = tpu.memref_slice %arg2[%add3A_56, %dma_start3A_67] : memref<26x16384xi32, #tpu.memory_space<hbm>> -> memref<1x16384xi32, #tpu.memory_space<hbm>>
    %dma_start3A_69 = tpu.memref_squeeze %dma_start3A_68 : memref<1x16384xi32, #tpu.memory_space<hbm>> -> memref<16384xi32, #tpu.memory_space<hbm>>
    %dma_start3A_70 = tpu.memref_slice %dma_start3A_69[%mul3A_58] : memref<16384xi32, #tpu.memory_space<hbm>> -> memref<1024xi32, #tpu.memory_space<hbm>>
    tpu.enqueue_dma source(%dma_start3A_70 : memref<1024xi32, #tpu.memory_space<hbm>>) target(%dma_start3A_66 : memref<1024xi32, #tpu.memory_space<vmem>>) target_semaphore(%arg11 : memref<!tpu.dma_semaphore, #tpu.memory_space<semaphore_mem>>)
    %mul3A_71 = arith.constant 13 : i32
    %mul3A_72 = arith.muli %arg0, %mul3A_71 : i32
    %add3A_73 = arith.constant 4 : i32
    %add3A_74 = arith.addi %mul3A_72, %add3A_73 : i32
    %mul3A_75 = arith.constant 1024 : i32
    %mul3A_76 = arith.muli %arg1, %mul3A_75 : i32
    %dma_start3A_77 = arith.constant 4096 : i32
    %dma_start3A_78 = tpu.memref_slice %arg6[%dma_start3A_77] : memref<13312xi32, #tpu.memory_space<vmem>> -> memref<1024xi32, #tpu.memory_space<vmem>>
    %dma_start3A_79 = arith.constant 0 : i32
    %dma_start3A_80 = tpu.memref_slice %arg2[%add3A_74, %dma_start3A_79] : memref<26x16384xi32, #tpu.memory_space<hbm>> -> memref<1x16384xi32, #tpu.memory_space<hbm>>
    %dma_start3A_81 = tpu.memref_squeeze %dma_start3A_80 : memref<1x16384xi32, #tpu.memory_space<hbm>> -> memref<16384xi32, #tpu.memory_space<hbm>>
    %dma_start3A_82 = tpu.memref_slice %dma_start3A_81[%mul3A_76] : memref<16384xi32, #tpu.memory_space<hbm>> -> memref<1024xi32, #tpu.memory_space<hbm>>
    %dma_start3A_83 = arith.constant 4096 : i32
    %dma_start3A_84 = tpu.memref_slice %arg6[%dma_start3A_83] : memref<13312xi32, #tpu.memory_space<vmem>> -> memref<1024xi32, #tpu.memory_space<vmem>>
    %dma_start3A_85 = arith.constant 0 : i32
    %dma_start3A_86 = tpu.memref_slice %arg2[%add3A_74, %dma_start3A_85] : memref<26x16384xi32, #tpu.memory_space<hbm>> -> memref<1x16384xi32, #tpu.memory_space<hbm>>
    %dma_start3A_87 = tpu.memref_squeeze %dma_start3A_86 : memref<1x16384xi32, #tpu.memory_space<hbm>> -> memref<16384xi32, #tpu.memory_space<hbm>>
    %dma_start3A_88 = tpu.memref_slice %dma_start3A_87[%mul3A_76] : memref<16384xi32, #tpu.memory_space<hbm>> -> memref<1024xi32, #tpu.memory_space<hbm>>
    tpu.enqueue_dma source(%dma_start3A_88 : memref<1024xi32, #tpu.memory_space<hbm>>) target(%dma_start3A_84 : memref<1024xi32, #tpu.memory_space<vmem>>) target_semaphore(%arg10 : memref<!tpu.dma_semaphore, #tpu.memory_space<semaphore_mem>>)
    %mul3A_89 = arith.constant 13 : i32
    %mul3A_90 = arith.muli %arg0, %mul3A_89 : i32
    %add3A_91 = arith.constant 5 : i32
    %add3A_92 = arith.addi %mul3A_90, %add3A_91 : i32
    %mul3A_93 = arith.constant 1024 : i32
    %mul3A_94 = arith.muli %arg1, %mul3A_93 : i32
    %dma_start3A_95 = arith.constant 5120 : i32
    %dma_start3A_96 = tpu.memref_slice %arg6[%dma_start3A_95] : memref<13312xi32, #tpu.memory_space<vmem>> -> memref<1024xi32, #tpu.memory_space<vmem>>
    %dma_start3A_97 = arith.constant 0 : i32
    %dma_start3A_98 = tpu.memref_slice %arg2[%add3A_92, %dma_start3A_97] : memref<26x16384xi32, #tpu.memory_space<hbm>> -> memref<1x16384xi32, #tpu.memory_space<hbm>>
    %dma_start3A_99 = tpu.memref_squeeze %dma_start3A_98 : memref<1x16384xi32, #tpu.memory_space<hbm>> -> memref<16384xi32, #tpu.memory_space<hbm>>
    %dma_start3A_100 = tpu.memref_slice %dma_start3A_99[%mul3A_94] : memref<16384xi32, #tpu.memory_space<hbm>> -> memref<1024xi32, #tpu.memory_space<hbm>>
    %dma_start3A_101 = arith.constant 5120 : i32
    %dma_start3A_102 = tpu.memref_slice %arg6[%dma_start3A_101] : memref<13312xi32, #tpu.memory_space<vmem>> -> memref<1024xi32, #tpu.memory_space<vmem>>
    %dma_start3A_103 = arith.constant 0 : i32
    %dma_start3A_104 = tpu.memref_slice %arg2[%add3A_92, %dma_start3A_103] : memref<26x16384xi32, #tpu.memory_space<hbm>> -> memref<1x16384xi32, #tpu.memory_space<hbm>>
    %dma_start3A_105 = tpu.memref_squeeze %dma_start3A_104 : memref<1x16384xi32, #tpu.memory_space<hbm>> -> memref<16384xi32, #tpu.memory_space<hbm>>
    %dma_start3A_106 = tpu.memref_slice %dma_start3A_105[%mul3A_94] : memref<16384xi32, #tpu.memory_space<hbm>> -> memref<1024xi32, #tpu.memory_space<hbm>>
    tpu.enqueue_dma source(%dma_start3A_106 : memref<1024xi32, #tpu.memory_space<hbm>>) target(%dma_start3A_102 : memref<1024xi32, #tpu.memory_space<vmem>>) target_semaphore(%arg10 : memref<!tpu.dma_semaphore, #tpu.memory_space<semaphore_mem>>)
    %mul3A_107 = arith.constant 13 : i32
    %mul3A_108 = arith.muli %arg0, %mul3A_107 : i32
    %add3A_109 = arith.constant 6 : i32
    %add3A_110 = arith.addi %mul3A_108, %add3A_109 : i32
    %mul3A_111 = arith.constant 1024 : i32
    %mul3A_112 = arith.muli %arg1, %mul3A_111 : i32
    %dma_start3A_113 = arith.constant 6144 : i32
    %dma_start3A_114 = tpu.memref_slice %arg6[%dma_start3A_113] : memref<13312xi32, #tpu.memory_space<vmem>> -> memref<1024xi32, #tpu.memory_space<vmem>>
    %dma_start3A_115 = arith.constant 0 : i32
    %dma_start3A_116 = tpu.memref_slice %arg2[%add3A_110, %dma_start3A_115] : memref<26x16384xi32, #tpu.memory_space<hbm>> -> memref<1x16384xi32, #tpu.memory_space<hbm>>
    %dma_start3A_117 = tpu.memref_squeeze %dma_start3A_116 : memref<1x16384xi32, #tpu.memory_space<hbm>> -> memref<16384xi32, #tpu.memory_space<hbm>>
    %dma_start3A_118 = tpu.memref_slice %dma_start3A_117[%mul3A_112] : memref<16384xi32, #tpu.memory_space<hbm>> -> memref<1024xi32, #tpu.memory_space<hbm>>
    %dma_start3A_119 = arith.constant 6144 : i32
    %dma_start3A_120 = tpu.memref_slice %arg6[%dma_start3A_119] : memref<13312xi32, #tpu.memory_space<vmem>> -> memref<1024xi32, #tpu.memory_space<vmem>>
    %dma_start3A_121 = arith.constant 0 : i32
    %dma_start3A_122 = tpu.memref_slice %arg2[%add3A_110, %dma_start3A_121] : memref<26x16384xi32, #tpu.memory_space<hbm>> -> memref<1x16384xi32, #tpu.memory_space<hbm>>
    %dma_start3A_123 = tpu.memref_squeeze %dma_start3A_122 : memref<1x16384xi32, #tpu.memory_space<hbm>> -> memref<16384xi32, #tpu.memory_space<hbm>>
    %dma_start3A_124 = tpu.memref_slice %dma_start3A_123[%mul3A_112] : memref<16384xi32, #tpu.memory_space<hbm>> -> memref<1024xi32, #tpu.memory_space<hbm>>
    tpu.enqueue_dma source(%dma_start3A_124 : memref<1024xi32, #tpu.memory_space<hbm>>) target(%dma_start3A_120 : memref<1024xi32, #tpu.memory_space<vmem>>) target_semaphore(%arg10 : memref<!tpu.dma_semaphore, #tpu.memory_space<semaphore_mem>>)
    %mul3A_125 = arith.constant 13 : i32
    %mul3A_126 = arith.muli %arg0, %mul3A_125 : i32
    %add3A_127 = arith.constant 7 : i32
    %add3A_128 = arith.addi %mul3A_126, %add3A_127 : i32
    %mul3A_129 = arith.constant 1024 : i32
    %mul3A_130 = arith.muli %arg1, %mul3A_129 : i32
    %dma_start3A_131 = arith.constant 7168 : i32
    %dma_start3A_132 = tpu.memref_slice %arg6[%dma_start3A_131] : memref<13312xi32, #tpu.memory_space<vmem>> -> memref<1024xi32, #tpu.memory_space<vmem>>
    %dma_start3A_133 = arith.constant 0 : i32
    %dma_start3A_134 = tpu.memref_slice %arg2[%add3A_128, %dma_start3A_133] : memref<26x16384xi32, #tpu.memory_space<hbm>> -> memref<1x16384xi32, #tpu.memory_space<hbm>>
    %dma_start3A_135 = tpu.memref_squeeze %dma_start3A_134 : memref<1x16384xi32, #tpu.memory_space<hbm>> -> memref<16384xi32, #tpu.memory_space<hbm>>
    %dma_start3A_136 = tpu.memref_slice %dma_start3A_135[%mul3A_130] : memref<16384xi32, #tpu.memory_space<hbm>> -> memref<1024xi32, #tpu.memory_space<hbm>>
    %dma_start3A_137 = arith.constant 7168 : i32
    %dma_start3A_138 = tpu.memref_slice %arg6[%dma_start3A_137] : memref<13312xi32, #tpu.memory_space<vmem>> -> memref<1024xi32, #tpu.memory_space<vmem>>
    %dma_start3A_139 = arith.constant 0 : i32
    %dma_start3A_140 = tpu.memref_slice %arg2[%add3A_128, %dma_start3A_139] : memref<26x16384xi32, #tpu.memory_space<hbm>> -> memref<1x16384xi32, #tpu.memory_space<hbm>>
    %dma_start3A_141 = tpu.memref_squeeze %dma_start3A_140 : memref<1x16384xi32, #tpu.memory_space<hbm>> -> memref<16384xi32, #tpu.memory_space<hbm>>
    %dma_start3A_142 = tpu.memref_slice %dma_start3A_141[%mul3A_130] : memref<16384xi32, #tpu.memory_space<hbm>> -> memref<1024xi32, #tpu.memory_space<hbm>>
    tpu.enqueue_dma source(%dma_start3A_142 : memref<1024xi32, #tpu.memory_space<hbm>>) target(%dma_start3A_138 : memref<1024xi32, #tpu.memory_space<vmem>>) target_semaphore(%arg10 : memref<!tpu.dma_semaphore, #tpu.memory_space<semaphore_mem>>)
    %mul3A_143 = arith.constant 13 : i32
    %mul3A_144 = arith.muli %arg0, %mul3A_143 : i32
    %add3A_145 = arith.constant 8 : i32
    %add3A_146 = arith.addi %mul3A_144, %add3A_145 : i32
    %mul3A_147 = arith.constant 1024 : i32
    %mul3A_148 = arith.muli %arg1, %mul3A_147 : i32
    %dma_start3A_149 = arith.constant 8192 : i32
    %dma_start3A_150 = tpu.memref_slice %arg6[%dma_start3A_149] : memref<13312xi32, #tpu.memory_space<vmem>> -> memref<1024xi32, #tpu.memory_space<vmem>>
    %dma_start3A_151 = arith.constant 0 : i32
    %dma_start3A_152 = tpu.memref_slice %arg2[%add3A_146, %dma_start3A_151] : memref<26x16384xi32, #tpu.memory_space<hbm>> -> memref<1x16384xi32, #tpu.memory_space<hbm>>
    %dma_start3A_153 = tpu.memref_squeeze %dma_start3A_152 : memref<1x16384xi32, #tpu.memory_space<hbm>> -> memref<16384xi32, #tpu.memory_space<hbm>>
    %dma_start3A_154 = tpu.memref_slice %dma_start3A_153[%mul3A_148] : memref<16384xi32, #tpu.memory_space<hbm>> -> memref<1024xi32, #tpu.memory_space<hbm>>
    %dma_start3A_155 = arith.constant 8192 : i32
    %dma_start3A_156 = tpu.memref_slice %arg6[%dma_start3A_155] : memref<13312xi32, #tpu.memory_space<vmem>> -> memref<1024xi32, #tpu.memory_space<vmem>>
    %dma_start3A_157 = arith.constant 0 : i32
    %dma_start3A_158 = tpu.memref_slice %arg2[%add3A_146, %dma_start3A_157] : memref<26x16384xi32, #tpu.memory_space<hbm>> -> memref<1x16384xi32, #tpu.memory_space<hbm>>
    %dma_start3A_159 = tpu.memref_squeeze %dma_start3A_158 : memref<1x16384xi32, #tpu.memory_space<hbm>> -> memref<16384xi32, #tpu.memory_space<hbm>>
    %dma_start3A_160 = tpu.memref_slice %dma_start3A_159[%mul3A_148] : memref<16384xi32, #tpu.memory_space<hbm>> -> memref<1024xi32, #tpu.memory_space<hbm>>
    tpu.enqueue_dma source(%dma_start3A_160 : memref<1024xi32, #tpu.memory_space<hbm>>) target(%dma_start3A_156 : memref<1024xi32, #tpu.memory_space<vmem>>) target_semaphore(%arg10 : memref<!tpu.dma_semaphore, #tpu.memory_space<semaphore_mem>>)
    %mul3A_161 = arith.constant 13 : i32
    %mul3A_162 = arith.muli %arg0, %mul3A_161 : i32
    %add3A_163 = arith.constant 9 : i32
    %add3A_164 = arith.addi %mul3A_162, %add3A_163 : i32
    %mul3A_165 = arith.constant 1024 : i32
    %mul3A_166 = arith.muli %arg1, %mul3A_165 : i32
    %dma_start3A_167 = arith.constant 9216 : i32
    %dma_start3A_168 = tpu.memref_slice %arg6[%dma_start3A_167] : memref<13312xi32, #tpu.memory_space<vmem>> -> memref<1024xi32, #tpu.memory_space<vmem>>
    %dma_start3A_169 = arith.constant 0 : i32
    %dma_start3A_170 = tpu.memref_slice %arg2[%add3A_164, %dma_start3A_169] : memref<26x16384xi32, #tpu.memory_space<hbm>> -> memref<1x16384xi32, #tpu.memory_space<hbm>>
    %dma_start3A_171 = tpu.memref_squeeze %dma_start3A_170 : memref<1x16384xi32, #tpu.memory_space<hbm>> -> memref<16384xi32, #tpu.memory_space<hbm>>
    %dma_start3A_172 = tpu.memref_slice %dma_start3A_171[%mul3A_166] : memref<16384xi32, #tpu.memory_space<hbm>> -> memref<1024xi32, #tpu.memory_space<hbm>>
    %dma_start3A_173 = arith.constant 9216 : i32
    %dma_start3A_174 = tpu.memref_slice %arg6[%dma_start3A_173] : memref<13312xi32, #tpu.memory_space<vmem>> -> memref<1024xi32, #tpu.memory_space<vmem>>
    %dma_start3A_175 = arith.constant 0 : i32
    %dma_start3A_176 = tpu.memref_slice %arg2[%add3A_164, %dma_start3A_175] : memref<26x16384xi32, #tpu.memory_space<hbm>> -> memref<1x16384xi32, #tpu.memory_space<hbm>>
    %dma_start3A_177 = tpu.memref_squeeze %dma_start3A_176 : memref<1x16384xi32, #tpu.memory_space<hbm>> -> memref<16384xi32, #tpu.memory_space<hbm>>
    %dma_start3A_178 = tpu.memref_slice %dma_start3A_177[%mul3A_166] : memref<16384xi32, #tpu.memory_space<hbm>> -> memref<1024xi32, #tpu.memory_space<hbm>>
    tpu.enqueue_dma source(%dma_start3A_178 : memref<1024xi32, #tpu.memory_space<hbm>>) target(%dma_start3A_174 : memref<1024xi32, #tpu.memory_space<vmem>>) target_semaphore(%arg10 : memref<!tpu.dma_semaphore, #tpu.memory_space<semaphore_mem>>)
    %mul3A_179 = arith.constant 13 : i32
    %mul3A_180 = arith.muli %arg0, %mul3A_179 : i32
    %add3A_181 = arith.constant 10 : i32
    %add3A_182 = arith.addi %mul3A_180, %add3A_181 : i32
    %mul3A_183 = arith.constant 1024 : i32
    %mul3A_184 = arith.muli %arg1, %mul3A_183 : i32
    %dma_start3A_185 = arith.constant 10240 : i32
    %dma_start3A_186 = tpu.memref_slice %arg6[%dma_start3A_185] : memref<13312xi32, #tpu.memory_space<vmem>> -> memref<1024xi32, #tpu.memory_space<vmem>>
    %dma_start3A_187 = arith.constant 0 : i32
    %dma_start3A_188 = tpu.memref_slice %arg2[%add3A_182, %dma_start3A_187] : memref<26x16384xi32, #tpu.memory_space<hbm>> -> memref<1x16384xi32, #tpu.memory_space<hbm>>
    %dma_start3A_189 = tpu.memref_squeeze %dma_start3A_188 : memref<1x16384xi32, #tpu.memory_space<hbm>> -> memref<16384xi32, #tpu.memory_space<hbm>>
    %dma_start3A_190 = tpu.memref_slice %dma_start3A_189[%mul3A_184] : memref<16384xi32, #tpu.memory_space<hbm>> -> memref<1024xi32, #tpu.memory_space<hbm>>
    %dma_start3A_191 = arith.constant 10240 : i32
    %dma_start3A_192 = tpu.memref_slice %arg6[%dma_start3A_191] : memref<13312xi32, #tpu.memory_space<vmem>> -> memref<1024xi32, #tpu.memory_space<vmem>>
    %dma_start3A_193 = arith.constant 0 : i32
    %dma_start3A_194 = tpu.memref_slice %arg2[%add3A_182, %dma_start3A_193] : memref<26x16384xi32, #tpu.memory_space<hbm>> -> memref<1x16384xi32, #tpu.memory_space<hbm>>
    %dma_start3A_195 = tpu.memref_squeeze %dma_start3A_194 : memref<1x16384xi32, #tpu.memory_space<hbm>> -> memref<16384xi32, #tpu.memory_space<hbm>>
    %dma_start3A_196 = tpu.memref_slice %dma_start3A_195[%mul3A_184] : memref<16384xi32, #tpu.memory_space<hbm>> -> memref<1024xi32, #tpu.memory_space<hbm>>
    tpu.enqueue_dma source(%dma_start3A_196 : memref<1024xi32, #tpu.memory_space<hbm>>) target(%dma_start3A_192 : memref<1024xi32, #tpu.memory_space<vmem>>) target_semaphore(%arg10 : memref<!tpu.dma_semaphore, #tpu.memory_space<semaphore_mem>>)
    %mul3A_197 = arith.constant 13 : i32
    %mul3A_198 = arith.muli %arg0, %mul3A_197 : i32
    %add3A_199 = arith.constant 11 : i32
    %add3A_200 = arith.addi %mul3A_198, %add3A_199 : i32
    %mul3A_201 = arith.constant 1024 : i32
    %mul3A_202 = arith.muli %arg1, %mul3A_201 : i32
    %dma_start3A_203 = arith.constant 11264 : i32
    %dma_start3A_204 = tpu.memref_slice %arg6[%dma_start3A_203] : memref<13312xi32, #tpu.memory_space<vmem>> -> memref<1024xi32, #tpu.memory_space<vmem>>
    %dma_start3A_205 = arith.constant 0 : i32
    %dma_start3A_206 = tpu.memref_slice %arg2[%add3A_200, %dma_start3A_205] : memref<26x16384xi32, #tpu.memory_space<hbm>> -> memref<1x16384xi32, #tpu.memory_space<hbm>>
    %dma_start3A_207 = tpu.memref_squeeze %dma_start3A_206 : memref<1x16384xi32, #tpu.memory_space<hbm>> -> memref<16384xi32, #tpu.memory_space<hbm>>
    %dma_start3A_208 = tpu.memref_slice %dma_start3A_207[%mul3A_202] : memref<16384xi32, #tpu.memory_space<hbm>> -> memref<1024xi32, #tpu.memory_space<hbm>>
    %dma_start3A_209 = arith.constant 11264 : i32
    %dma_start3A_210 = tpu.memref_slice %arg6[%dma_start3A_209] : memref<13312xi32, #tpu.memory_space<vmem>> -> memref<1024xi32, #tpu.memory_space<vmem>>
    %dma_start3A_211 = arith.constant 0 : i32
    %dma_start3A_212 = tpu.memref_slice %arg2[%add3A_200, %dma_start3A_211] : memref<26x16384xi32, #tpu.memory_space<hbm>> -> memref<1x16384xi32, #tpu.memory_space<hbm>>
    %dma_start3A_213 = tpu.memref_squeeze %dma_start3A_212 : memref<1x16384xi32, #tpu.memory_space<hbm>> -> memref<16384xi32, #tpu.memory_space<hbm>>
    %dma_start3A_214 = tpu.memref_slice %dma_start3A_213[%mul3A_202] : memref<16384xi32, #tpu.memory_space<hbm>> -> memref<1024xi32, #tpu.memory_space<hbm>>
    tpu.enqueue_dma source(%dma_start3A_214 : memref<1024xi32, #tpu.memory_space<hbm>>) target(%dma_start3A_210 : memref<1024xi32, #tpu.memory_space<vmem>>) target_semaphore(%arg10 : memref<!tpu.dma_semaphore, #tpu.memory_space<semaphore_mem>>)
    %mul3A_215 = arith.constant 13 : i32
    %mul3A_216 = arith.muli %arg0, %mul3A_215 : i32
    %add3A_217 = arith.constant 12 : i32
    %add3A_218 = arith.addi %mul3A_216, %add3A_217 : i32
    %mul3A_219 = arith.constant 1024 : i32
    %mul3A_220 = arith.muli %arg1, %mul3A_219 : i32
    %dma_start3A_221 = arith.constant 12288 : i32
    %dma_start3A_222 = tpu.memref_slice %arg6[%dma_start3A_221] : memref<13312xi32, #tpu.memory_space<vmem>> -> memref<1024xi32, #tpu.memory_space<vmem>>
    %dma_start3A_223 = arith.constant 0 : i32
    %dma_start3A_224 = tpu.memref_slice %arg2[%add3A_218, %dma_start3A_223] : memref<26x16384xi32, #tpu.memory_space<hbm>> -> memref<1x16384xi32, #tpu.memory_space<hbm>>
    %dma_start3A_225 = tpu.memref_squeeze %dma_start3A_224 : memref<1x16384xi32, #tpu.memory_space<hbm>> -> memref<16384xi32, #tpu.memory_space<hbm>>
    %dma_start3A_226 = tpu.memref_slice %dma_start3A_225[%mul3A_220] : memref<16384xi32, #tpu.memory_space<hbm>> -> memref<1024xi32, #tpu.memory_space<hbm>>
    %dma_start3A_227 = arith.constant 12288 : i32
    %dma_start3A_228 = tpu.memref_slice %arg6[%dma_start3A_227] : memref<13312xi32, #tpu.memory_space<vmem>> -> memref<1024xi32, #tpu.memory_space<vmem>>
    %dma_start3A_229 = arith.constant 0 : i32
    %dma_start3A_230 = tpu.memref_slice %arg2[%add3A_218, %dma_start3A_229] : memref<26x16384xi32, #tpu.memory_space<hbm>> -> memref<1x16384xi32, #tpu.memory_space<hbm>>
    %dma_start3A_231 = tpu.memref_squeeze %dma_start3A_230 : memref<1x16384xi32, #tpu.memory_space<hbm>> -> memref<16384xi32, #tpu.memory_space<hbm>>
    %dma_start3A_232 = tpu.memref_slice %dma_start3A_231[%mul3A_220] : memref<16384xi32, #tpu.memory_space<hbm>> -> memref<1024xi32, #tpu.memory_space<hbm>>
    tpu.enqueue_dma source(%dma_start3A_232 : memref<1024xi32, #tpu.memory_space<hbm>>) target(%dma_start3A_228 : memref<1024xi32, #tpu.memory_space<vmem>>) target_semaphore(%arg10 : memref<!tpu.dma_semaphore, #tpu.memory_space<semaphore_mem>>)
    %dma_wait3A = arith.constant 0 : i32
    %dma_wait3A_233 = arith.constant 0 : i32
    %dma_wait3A_234 = tpu.memref_slice %arg6[%dma_wait3A_233] : memref<13312xi32, #tpu.memory_space<vmem>> -> memref<4096xi32, #tpu.memory_space<vmem>>
    %dma_wait3A_235 = arith.constant 0 : i32
    %dma_wait3A_236 = tpu.memref_slice %arg2[%dma_wait3A, %dma_wait3A_235] : memref<26x16384xi32, #tpu.memory_space<hbm>> -> memref<1x16384xi32, #tpu.memory_space<hbm>>
    %dma_wait3A_237 = tpu.memref_squeeze %dma_wait3A_236 : memref<1x16384xi32, #tpu.memory_space<hbm>> -> memref<16384xi32, #tpu.memory_space<hbm>>
    %dma_wait3A_238 = arith.constant 0 : i32
    %dma_wait3A_239 = tpu.memref_slice %dma_wait3A_237[%dma_wait3A_238] : memref<16384xi32, #tpu.memory_space<hbm>> -> memref<4096xi32, #tpu.memory_space<hbm>>
    %dma_wait3A_240 = arith.constant 0 : i32
    %dma_wait3A_241 = tpu.memref_slice %arg6[%dma_wait3A_240] : memref<13312xi32, #tpu.memory_space<vmem>> -> memref<4096xi32, #tpu.memory_space<vmem>>
    %dma_wait3A_242 = arith.constant 0 : i32
    %dma_wait3A_243 = tpu.memref_slice %arg2[%dma_wait3A, %dma_wait3A_242] : memref<26x16384xi32, #tpu.memory_space<hbm>> -> memref<1x16384xi32, #tpu.memory_space<hbm>>
    %dma_wait3A_244 = tpu.memref_squeeze %dma_wait3A_243 : memref<1x16384xi32, #tpu.memory_space<hbm>> -> memref<16384xi32, #tpu.memory_space<hbm>>
    %dma_wait3A_245 = arith.constant 0 : i32
    %dma_wait3A_246 = tpu.memref_slice %dma_wait3A_244[%dma_wait3A_245] : memref<16384xi32, #tpu.memory_space<hbm>> -> memref<4096xi32, #tpu.memory_space<hbm>>
    tpu.wait_dma2 semaphore(%arg11 : memref<!tpu.dma_semaphore, #tpu.memory_space<semaphore_mem>>) src(%dma_wait3A_246 : memref<4096xi32, #tpu.memory_space<hbm>>) dst(%dma_wait3A_241 : memref<4096xi32, #tpu.memory_space<vmem>>)
    %dma_start3A_247 = arith.constant 0 : i32
    %dma_start3A_248 = arith.constant 0 : i32
    %dma_start3A_249 = tpu.memref_slice %arg7[%dma_start3A_248] : memref<13312xf32, #tpu.memory_space<vmem>> -> memref<1024xf32, #tpu.memory_space<vmem>>
    %dma_start3A_250 = arith.constant 0 : i32
    %dma_start3A_251 = tpu.memref_slice %arg6[%dma_start3A_250] : memref<13312xi32, #tpu.memory_space<vmem>> -> memref<1024xi32, #tpu.memory_space<vmem>>
    %dma_start3A_252 = arith.constant 0 : i32
    %dma_start3A_253 = tpu.memref_slice %arg3[%dma_start3A_247, %dma_start3A_252] : memref<1x2600000xf32, #tpu.memory_space<hbm>> -> memref<1x2600000xf32, #tpu.memory_space<hbm>>
    %dma_start3A_254 = tpu.memref_squeeze %dma_start3A_253 : memref<1x2600000xf32, #tpu.memory_space<hbm>> -> memref<2600000xf32, #tpu.memory_space<hbm>>
    %dma_start3A_255 = tpu.memref_slice %dma_start3A_254[%mul3A_0] : memref<2600000xf32, #tpu.memory_space<hbm>> -> memref<1300032xf32, #tpu.memory_space<hbm>>
    %dma_start3A_256 = arith.constant 0 : i32
    %dma_start3A_257 = tpu.memref_slice %dma_start3A_255[%dma_start3A_256] : memref<1300032xf32, #tpu.memory_space<hbm>> -> memref<1300032xf32, #tpu.memory_space<hbm>>
    tpu.enqueue_indirect_dma source(%dma_start3A_257 : memref<1300032xf32, #tpu.memory_space<hbm>>) target(%dma_start3A_249 : memref<1024xf32, #tpu.memory_space<vmem>>) offsets(%dma_start3A_251 : memref<1024xi32, #tpu.memory_space<vmem>>) semaphore(%arg11 : memref<!tpu.dma_semaphore, #tpu.memory_space<semaphore_mem>>)
    %dma_start3A_258 = arith.constant 0 : i32
    %dma_start3A_259 = arith.constant 1024 : i32
    %dma_start3A_260 = tpu.memref_slice %arg7[%dma_start3A_259] : memref<13312xf32, #tpu.memory_space<vmem>> -> memref<1024xf32, #tpu.memory_space<vmem>>
    %dma_start3A_261 = arith.constant 1024 : i32
    %dma_start3A_262 = tpu.memref_slice %arg6[%dma_start3A_261] : memref<13312xi32, #tpu.memory_space<vmem>> -> memref<1024xi32, #tpu.memory_space<vmem>>
    %dma_start3A_263 = arith.constant 0 : i32
    %dma_start3A_264 = tpu.memref_slice %arg3[%dma_start3A_258, %dma_start3A_263] : memref<1x2600000xf32, #tpu.memory_space<hbm>> -> memref<1x2600000xf32, #tpu.memory_space<hbm>>
    %dma_start3A_265 = tpu.memref_squeeze %dma_start3A_264 : memref<1x2600000xf32, #tpu.memory_space<hbm>> -> memref<2600000xf32, #tpu.memory_space<hbm>>
    %dma_start3A_266 = tpu.memref_slice %dma_start3A_265[%mul3A_0] : memref<2600000xf32, #tpu.memory_space<hbm>> -> memref<1300032xf32, #tpu.memory_space<hbm>>
    %dma_start3A_267 = arith.constant 0 : i32
    %dma_start3A_268 = tpu.memref_slice %dma_start3A_266[%dma_start3A_267] : memref<1300032xf32, #tpu.memory_space<hbm>> -> memref<1300032xf32, #tpu.memory_space<hbm>>
    tpu.enqueue_indirect_dma source(%dma_start3A_268 : memref<1300032xf32, #tpu.memory_space<hbm>>) target(%dma_start3A_260 : memref<1024xf32, #tpu.memory_space<vmem>>) offsets(%dma_start3A_262 : memref<1024xi32, #tpu.memory_space<vmem>>) semaphore(%arg11 : memref<!tpu.dma_semaphore, #tpu.memory_space<semaphore_mem>>)
    %dma_start3A_269 = arith.constant 0 : i32
    %dma_start3A_270 = arith.constant 2048 : i32
    %dma_start3A_271 = tpu.memref_slice %arg7[%dma_start3A_270] : memref<13312xf32, #tpu.memory_space<vmem>> -> memref<1024xf32, #tpu.memory_space<vmem>>
    %dma_start3A_272 = arith.constant 2048 : i32
    %dma_start3A_273 = tpu.memref_slice %arg6[%dma_start3A_272] : memref<13312xi32, #tpu.memory_space<vmem>> -> memref<1024xi32, #tpu.memory_space<vmem>>
    %dma_start3A_274 = arith.constant 0 : i32
    %dma_start3A_275 = tpu.memref_slice %arg3[%dma_start3A_269, %dma_start3A_274] : memref<1x2600000xf32, #tpu.memory_space<hbm>> -> memref<1x2600000xf32, #tpu.memory_space<hbm>>
    %dma_start3A_276 = tpu.memref_squeeze %dma_start3A_275 : memref<1x2600000xf32, #tpu.memory_space<hbm>> -> memref<2600000xf32, #tpu.memory_space<hbm>>
    %dma_start3A_277 = tpu.memref_slice %dma_start3A_276[%mul3A_0] : memref<2600000xf32, #tpu.memory_space<hbm>> -> memref<1300032xf32, #tpu.memory_space<hbm>>
    %dma_start3A_278 = arith.constant 0 : i32
    %dma_start3A_279 = tpu.memref_slice %dma_start3A_277[%dma_start3A_278] : memref<1300032xf32, #tpu.memory_space<hbm>> -> memref<1300032xf32, #tpu.memory_space<hbm>>
    tpu.enqueue_indirect_dma source(%dma_start3A_279 : memref<1300032xf32, #tpu.memory_space<hbm>>) target(%dma_start3A_271 : memref<1024xf32, #tpu.memory_space<vmem>>) offsets(%dma_start3A_273 : memref<1024xi32, #tpu.memory_space<vmem>>) semaphore(%arg11 : memref<!tpu.dma_semaphore, #tpu.memory_space<semaphore_mem>>)
    %dma_start3A_280 = arith.constant 0 : i32
    %dma_start3A_281 = arith.constant 3072 : i32
    %dma_start3A_282 = tpu.memref_slice %arg7[%dma_start3A_281] : memref<13312xf32, #tpu.memory_space<vmem>> -> memref<1024xf32, #tpu.memory_space<vmem>>
    %dma_start3A_283 = arith.constant 3072 : i32
    %dma_start3A_284 = tpu.memref_slice %arg6[%dma_start3A_283] : memref<13312xi32, #tpu.memory_space<vmem>> -> memref<1024xi32, #tpu.memory_space<vmem>>
    %dma_start3A_285 = arith.constant 0 : i32
    %dma_start3A_286 = tpu.memref_slice %arg3[%dma_start3A_280, %dma_start3A_285] : memref<1x2600000xf32, #tpu.memory_space<hbm>> -> memref<1x2600000xf32, #tpu.memory_space<hbm>>
    %dma_start3A_287 = tpu.memref_squeeze %dma_start3A_286 : memref<1x2600000xf32, #tpu.memory_space<hbm>> -> memref<2600000xf32, #tpu.memory_space<hbm>>
    %dma_start3A_288 = tpu.memref_slice %dma_start3A_287[%mul3A_0] : memref<2600000xf32, #tpu.memory_space<hbm>> -> memref<1300032xf32, #tpu.memory_space<hbm>>
    %dma_start3A_289 = arith.constant 0 : i32
    %dma_start3A_290 = tpu.memref_slice %dma_start3A_288[%dma_start3A_289] : memref<1300032xf32, #tpu.memory_space<hbm>> -> memref<1300032xf32, #tpu.memory_space<hbm>>
    tpu.enqueue_indirect_dma source(%dma_start3A_290 : memref<1300032xf32, #tpu.memory_space<hbm>>) target(%dma_start3A_282 : memref<1024xf32, #tpu.memory_space<vmem>>) offsets(%dma_start3A_284 : memref<1024xi32, #tpu.memory_space<vmem>>) semaphore(%arg11 : memref<!tpu.dma_semaphore, #tpu.memory_space<semaphore_mem>>)
    %mul3A_291 = arith.constant 1299968 : i32
    %mul3A_292 = arith.muli %arg0, %mul3A_291 : i32
    %mul3A_293 = arith.constant 81280 : i32
    %mul3A_294 = arith.muli %arg1, %mul3A_293 : i32
    %add3A_295 = arith.addi %mul3A_292, %mul3A_294 : i32
    %lt3A = arith.constant 15 : i32
    %lt3A_296 = arith.cmpi slt, %arg1, %lt3A : i32
    %convert_element_type3A = arith.extui %lt3A_296 : i1 to i32
    %cond3A = arith.constant 0 : i32
    %cond3A_297 = arith.constant 0 : i32
    %cond3A_298 = arith.cmpi ne, %convert_element_type3A, %cond3A_297 : i32
    scf.if %cond3A_298 {
      %mul3A_418 = arith.constant 81280 : i32
      %mul3A_419 = arith.muli %arg1, %mul3A_418 : i32
      "tpu.region"() ({
        %run_scoped3A = tpu.sem_alloc : memref<!tpu.dma_semaphore, #tpu.memory_space<semaphore_mem>>
        %dma_start3A_420 = tpu.memref_slice %arg5[%mul3A_419] : memref<1300096xf32, #tpu.memory_space<vmem_shared>> -> memref<81280xf32, #tpu.memory_space<vmem_shared>>
        %dma_start3A_421 = arith.constant 0 : i32
        %dma_start3A_422 = tpu.memref_slice %arg3[%cond3A, %dma_start3A_421] : memref<1x2600000xf32, #tpu.memory_space<hbm>> -> memref<1x2600000xf32, #tpu.memory_space<hbm>>
        %dma_start3A_423 = tpu.memref_squeeze %dma_start3A_422 : memref<1x2600000xf32, #tpu.memory_space<hbm>> -> memref<2600000xf32, #tpu.memory_space<hbm>>
        %dma_start3A_424 = tpu.memref_slice %dma_start3A_423[%add3A_295] : memref<2600000xf32, #tpu.memory_space<hbm>> -> memref<81280xf32, #tpu.memory_space<hbm>>
        tpu.enqueue_dma source(%dma_start3A_424 : memref<81280xf32, #tpu.memory_space<hbm>>) target(%dma_start3A_420 : memref<81280xf32, #tpu.memory_space<vmem_shared>>) target_semaphore(%run_scoped3A : memref<!tpu.dma_semaphore, #tpu.memory_space<semaphore_mem>>)
        %dma_wait3A_425 = tpu.memref_slice %arg5[%mul3A_419] : memref<1300096xf32, #tpu.memory_space<vmem_shared>> -> memref<81280xf32, #tpu.memory_space<vmem_shared>>
        %dma_wait3A_426 = arith.constant 0 : i32
        %dma_wait3A_427 = tpu.memref_slice %arg3[%cond3A, %dma_wait3A_426] : memref<1x2600000xf32, #tpu.memory_space<hbm>> -> memref<1x2600000xf32, #tpu.memory_space<hbm>>
        %dma_wait3A_428 = tpu.memref_squeeze %dma_wait3A_427 : memref<1x2600000xf32, #tpu.memory_space<hbm>> -> memref<2600000xf32, #tpu.memory_space<hbm>>
        %dma_wait3A_429 = tpu.memref_slice %dma_wait3A_428[%add3A_295] : memref<2600000xf32, #tpu.memory_space<hbm>> -> memref<81280xf32, #tpu.memory_space<hbm>>
        tpu.wait_dma2 semaphore(%run_scoped3A : memref<!tpu.dma_semaphore, #tpu.memory_space<semaphore_mem>>) src(%dma_wait3A_429 : memref<81280xf32, #tpu.memory_space<hbm>>) dst(%dma_wait3A_425 : memref<81280xf32, #tpu.memory_space<vmem_shared>>)
        tpu.yield
      }) : () -> ()
    } else {
    }
    %eq3A = arith.constant 15 : i32
    %eq3A_299 = arith.cmpi eq, %arg1, %eq3A : i32
    %eq3A_300 = arith.constant 0 : i32
    %eq3A_301 = arith.cmpi eq, %arg0, %eq3A_300 : i32
    %and3A = arith.andi %eq3A_299, %eq3A_301 : i1
    %convert_element_type3A_302 = arith.extui %and3A : i1 to i32
    %cond3A_303 = arith.constant 0 : i32
    %cond3A_304 = arith.constant 0 : i32
    %cond3A_305 = arith.cmpi ne, %convert_element_type3A_302, %cond3A_304 : i32
    scf.if %cond3A_305 {
      "tpu.region"() ({
        %run_scoped3A = tpu.sem_alloc : memref<!tpu.dma_semaphore, #tpu.memory_space<semaphore_mem>>
        %dma_start3A_418 = arith.constant 1219200 : i32
        %dma_start3A_419 = tpu.memref_slice %arg5[%dma_start3A_418] : memref<1300096xf32, #tpu.memory_space<vmem_shared>> -> memref<80896xf32, #tpu.memory_space<vmem_shared>>
        %dma_start3A_420 = arith.constant 0 : i32
        %dma_start3A_421 = tpu.memref_slice %arg3[%cond3A_303, %dma_start3A_420] : memref<1x2600000xf32, #tpu.memory_space<hbm>> -> memref<1x2600000xf32, #tpu.memory_space<hbm>>
        %dma_start3A_422 = tpu.memref_squeeze %dma_start3A_421 : memref<1x2600000xf32, #tpu.memory_space<hbm>> -> memref<2600000xf32, #tpu.memory_space<hbm>>
        %dma_start3A_423 = arith.constant 1219200 : i32
        %dma_start3A_424 = tpu.memref_slice %dma_start3A_422[%dma_start3A_423] : memref<2600000xf32, #tpu.memory_space<hbm>> -> memref<80896xf32, #tpu.memory_space<hbm>>
        tpu.enqueue_dma source(%dma_start3A_424 : memref<80896xf32, #tpu.memory_space<hbm>>) target(%dma_start3A_419 : memref<80896xf32, #tpu.memory_space<vmem_shared>>) target_semaphore(%run_scoped3A : memref<!tpu.dma_semaphore, #tpu.memory_space<semaphore_mem>>)
        %dma_wait3A_425 = arith.constant 1219200 : i32
        %dma_wait3A_426 = tpu.memref_slice %arg5[%dma_wait3A_425] : memref<1300096xf32, #tpu.memory_space<vmem_shared>> -> memref<80896xf32, #tpu.memory_space<vmem_shared>>
        %dma_wait3A_427 = arith.constant 0 : i32
        %dma_wait3A_428 = tpu.memref_slice %arg3[%cond3A_303, %dma_wait3A_427] : memref<1x2600000xf32, #tpu.memory_space<hbm>> -> memref<1x2600000xf32, #tpu.memory_space<hbm>>
        %dma_wait3A_429 = tpu.memref_squeeze %dma_wait3A_428 : memref<1x2600000xf32, #tpu.memory_space<hbm>> -> memref<2600000xf32, #tpu.memory_space<hbm>>
        %dma_wait3A_430 = arith.constant 1219200 : i32
        %dma_wait3A_431 = tpu.memref_slice %dma_wait3A_429[%dma_wait3A_430] : memref<2600000xf32, #tpu.memory_space<hbm>> -> memref<80896xf32, #tpu.memory_space<hbm>>
        tpu.wait_dma2 semaphore(%run_scoped3A : memref<!tpu.dma_semaphore, #tpu.memory_space<semaphore_mem>>) src(%dma_wait3A_431 : memref<80896xf32, #tpu.memory_space<hbm>>) dst(%dma_wait3A_426 : memref<80896xf32, #tpu.memory_space<vmem_shared>>)
        tpu.yield
      }) : () -> ()
    } else {
    }
    %eq3A_306 = arith.constant 15 : i32
    %eq3A_307 = arith.cmpi eq, %arg1, %eq3A_306 : i32
    %eq3A_308 = arith.constant 1 : i32
    %eq3A_309 = arith.cmpi eq, %arg0, %eq3A_308 : i32
    %and3A_310 = arith.andi %eq3A_307, %eq3A_309 : i1
    %convert_element_type3A_311 = arith.extui %and3A_310 : i1 to i32
    %cond3A_312 = arith.constant 0 : i32
    %cond3A_313 = arith.constant 0 : i32
    %cond3A_314 = arith.cmpi ne, %convert_element_type3A_311, %cond3A_313 : i32
    scf.if %cond3A_314 {
      "tpu.region"() ({
        %run_scoped3A = tpu.sem_alloc : memref<!tpu.dma_semaphore, #tpu.memory_space<semaphore_mem>>
        %dma_start3A_418 = arith.constant 1219200 : i32
        %dma_start3A_419 = tpu.memref_slice %arg5[%dma_start3A_418] : memref<1300096xf32, #tpu.memory_space<vmem_shared>> -> memref<80768xf32, #tpu.memory_space<vmem_shared>>
        %dma_start3A_420 = arith.constant 0 : i32
        %dma_start3A_421 = tpu.memref_slice %arg3[%cond3A_312, %dma_start3A_420] : memref<1x2600000xf32, #tpu.memory_space<hbm>> -> memref<1x2600000xf32, #tpu.memory_space<hbm>>
        %dma_start3A_422 = tpu.memref_squeeze %dma_start3A_421 : memref<1x2600000xf32, #tpu.memory_space<hbm>> -> memref<2600000xf32, #tpu.memory_space<hbm>>
        %dma_start3A_423 = arith.constant 2519168 : i32
        %dma_start3A_424 = tpu.memref_slice %dma_start3A_422[%dma_start3A_423] : memref<2600000xf32, #tpu.memory_space<hbm>> -> memref<80768xf32, #tpu.memory_space<hbm>>
        tpu.enqueue_dma source(%dma_start3A_424 : memref<80768xf32, #tpu.memory_space<hbm>>) target(%dma_start3A_419 : memref<80768xf32, #tpu.memory_space<vmem_shared>>) target_semaphore(%run_scoped3A : memref<!tpu.dma_semaphore, #tpu.memory_space<semaphore_mem>>)
        %dma_wait3A_425 = arith.constant 1219200 : i32
        %dma_wait3A_426 = tpu.memref_slice %arg5[%dma_wait3A_425] : memref<1300096xf32, #tpu.memory_space<vmem_shared>> -> memref<80768xf32, #tpu.memory_space<vmem_shared>>
        %dma_wait3A_427 = arith.constant 0 : i32
        %dma_wait3A_428 = tpu.memref_slice %arg3[%cond3A_312, %dma_wait3A_427] : memref<1x2600000xf32, #tpu.memory_space<hbm>> -> memref<1x2600000xf32, #tpu.memory_space<hbm>>
        %dma_wait3A_429 = tpu.memref_squeeze %dma_wait3A_428 : memref<1x2600000xf32, #tpu.memory_space<hbm>> -> memref<2600000xf32, #tpu.memory_space<hbm>>
        %dma_wait3A_430 = arith.constant 2519168 : i32
        %dma_wait3A_431 = tpu.memref_slice %dma_wait3A_429[%dma_wait3A_430] : memref<2600000xf32, #tpu.memory_space<hbm>> -> memref<80768xf32, #tpu.memory_space<hbm>>
        tpu.wait_dma2 semaphore(%run_scoped3A : memref<!tpu.dma_semaphore, #tpu.memory_space<semaphore_mem>>) src(%dma_wait3A_431 : memref<80768xf32, #tpu.memory_space<hbm>>) dst(%dma_wait3A_426 : memref<80768xf32, #tpu.memory_space<vmem_shared>>)
        tpu.yield
      }) : () -> ()
    } else {
    }
    %eq3A_315 = arith.constant 0 : i32
    %eq3A_316 = arith.cmpi eq, %arg1, %eq3A_315 : i32
    %eq3A_317 = arith.constant 1 : i32
    %eq3A_318 = arith.cmpi eq, %arg0, %eq3A_317 : i32
    %and3A_319 = arith.andi %eq3A_316, %eq3A_318 : i1
    %convert_element_type3A_320 = arith.extui %and3A_319 : i1 to i32
    %cond3A_321 = arith.constant 0 : i32
    %cond3A_322 = arith.constant 0 : i32
    %cond3A_323 = arith.cmpi ne, %convert_element_type3A_320, %cond3A_322 : i32
    scf.if %cond3A_323 {
      "tpu.region"() ({
        %run_scoped3A = tpu.sem_alloc : memref<!tpu.dma_semaphore, #tpu.memory_space<semaphore_mem>>
        %dma_start3A_418 = arith.constant 0 : i32
        %dma_start3A_419 = tpu.memref_slice %arg3[%cond3A_321, %dma_start3A_418] : memref<1x2600000xf32, #tpu.memory_space<hbm>> -> memref<1x2600000xf32, #tpu.memory_space<hbm>>
        %dma_start3A_420 = tpu.memref_squeeze %dma_start3A_419 : memref<1x2600000xf32, #tpu.memory_space<hbm>> -> memref<2600000xf32, #tpu.memory_space<hbm>>
        %dma_start3A_421 = arith.constant 2599808 : i32
        %dma_start3A_422 = tpu.memref_slice %dma_start3A_420[%dma_start3A_421] : memref<2600000xf32, #tpu.memory_space<hbm>> -> memref<192xf32, #tpu.memory_space<hbm>>
        %dma_start3A_423 = arith.constant 0 : i32
        %dma_start3A_424 = tpu.memref_slice %arg3[%cond3A_321, %dma_start3A_423] : memref<1x2600000xf32, #tpu.memory_space<hbm>> -> memref<1x2600000xf32, #tpu.memory_space<hbm>>
        %dma_start3A_425 = tpu.memref_squeeze %dma_start3A_424 : memref<1x2600000xf32, #tpu.memory_space<hbm>> -> memref<2600000xf32, #tpu.memory_space<hbm>>
        %dma_start3A_426 = arith.constant 2599808 : i32
        %dma_start3A_427 = tpu.memref_slice %dma_start3A_425[%dma_start3A_426] : memref<2600000xf32, #tpu.memory_space<hbm>> -> memref<192xf32, #tpu.memory_space<hbm>>
        tpu.enqueue_dma source(%dma_start3A_427 : memref<192xf32, #tpu.memory_space<hbm>>) target(%arg9 : memref<192xf32, #tpu.memory_space<vmem>>) target_semaphore(%run_scoped3A : memref<!tpu.dma_semaphore, #tpu.memory_space<semaphore_mem>>)
        %dma_wait3A_428 = arith.constant 0 : i32
        %dma_wait3A_429 = tpu.memref_slice %arg3[%cond3A_321, %dma_wait3A_428] : memref<1x2600000xf32, #tpu.memory_space<hbm>> -> memref<1x2600000xf32, #tpu.memory_space<hbm>>
        %dma_wait3A_430 = tpu.memref_squeeze %dma_wait3A_429 : memref<1x2600000xf32, #tpu.memory_space<hbm>> -> memref<2600000xf32, #tpu.memory_space<hbm>>
        %dma_wait3A_431 = arith.constant 2599808 : i32
        %dma_wait3A_432 = tpu.memref_slice %dma_wait3A_430[%dma_wait3A_431] : memref<2600000xf32, #tpu.memory_space<hbm>> -> memref<192xf32, #tpu.memory_space<hbm>>
        %dma_wait3A_433 = arith.constant 0 : i32
        %dma_wait3A_434 = tpu.memref_slice %arg3[%cond3A_321, %dma_wait3A_433] : memref<1x2600000xf32, #tpu.memory_space<hbm>> -> memref<1x2600000xf32, #tpu.memory_space<hbm>>
        %dma_wait3A_435 = tpu.memref_squeeze %dma_wait3A_434 : memref<1x2600000xf32, #tpu.memory_space<hbm>> -> memref<2600000xf32, #tpu.memory_space<hbm>>
        %dma_wait3A_436 = arith.constant 2599808 : i32
        %dma_wait3A_437 = tpu.memref_slice %dma_wait3A_435[%dma_wait3A_436] : memref<2600000xf32, #tpu.memory_space<hbm>> -> memref<192xf32, #tpu.memory_space<hbm>>
        tpu.wait_dma2 semaphore(%run_scoped3A : memref<!tpu.dma_semaphore, #tpu.memory_space<semaphore_mem>>) src(%dma_wait3A_437 : memref<192xf32, #tpu.memory_space<hbm>>) dst(%arg9 : memref<192xf32, #tpu.memory_space<vmem>>)
        tpu.yield
      }) : () -> ()
      "tpu.region"() ({
        %run_scoped3A = tpu.sem_alloc : memref<!tpu.dma_semaphore, #tpu.memory_space<semaphore_mem>>
        %dma_start3A_418 = arith.constant 1299840 : i32
        %dma_start3A_419 = tpu.memref_slice %arg5[%dma_start3A_418] : memref<1300096xf32, #tpu.memory_space<vmem_shared>> -> memref<192xf32, #tpu.memory_space<vmem_shared>>
        %dma_start3A_420 = arith.constant 1299840 : i32
        %dma_start3A_421 = tpu.memref_slice %arg5[%dma_start3A_420] : memref<1300096xf32, #tpu.memory_space<vmem_shared>> -> memref<192xf32, #tpu.memory_space<vmem_shared>>
        tpu.enqueue_dma source(%arg9 : memref<192xf32, #tpu.memory_space<vmem>>) target(%dma_start3A_421 : memref<192xf32, #tpu.memory_space<vmem_shared>>) target_semaphore(%run_scoped3A : memref<!tpu.dma_semaphore, #tpu.memory_space<semaphore_mem>>)
        %dma_wait3A_422 = arith.constant 1299840 : i32
        %dma_wait3A_423 = tpu.memref_slice %arg5[%dma_wait3A_422] : memref<1300096xf32, #tpu.memory_space<vmem_shared>> -> memref<192xf32, #tpu.memory_space<vmem_shared>>
        %dma_wait3A_424 = arith.constant 1299840 : i32
        %dma_wait3A_425 = tpu.memref_slice %arg5[%dma_wait3A_424] : memref<1300096xf32, #tpu.memory_space<vmem_shared>> -> memref<192xf32, #tpu.memory_space<vmem_shared>>
        tpu.wait_dma2 semaphore(%run_scoped3A : memref<!tpu.dma_semaphore, #tpu.memory_space<semaphore_mem>>) src(%arg9 : memref<192xf32, #tpu.memory_space<vmem>>) dst(%dma_wait3A_425 : memref<192xf32, #tpu.memory_space<vmem_shared>>)
        tpu.yield
      }) : () -> ()
    } else {
    }
    %dma_wait3A_324 = arith.constant 0 : i32
    %dma_wait3A_325 = arith.constant 4096 : i32
    %dma_wait3A_326 = tpu.memref_slice %arg6[%dma_wait3A_325] : memref<13312xi32, #tpu.memory_space<vmem>> -> memref<9216xi32, #tpu.memory_space<vmem>>
    %dma_wait3A_327 = arith.constant 0 : i32
    %dma_wait3A_328 = tpu.memref_slice %arg2[%dma_wait3A_324, %dma_wait3A_327] : memref<26x16384xi32, #tpu.memory_space<hbm>> -> memref<1x16384xi32, #tpu.memory_space<hbm>>
    %dma_wait3A_329 = tpu.memref_squeeze %dma_wait3A_328 : memref<1x16384xi32, #tpu.memory_space<hbm>> -> memref<16384xi32, #tpu.memory_space<hbm>>
    %dma_wait3A_330 = arith.constant 4096 : i32
    %dma_wait3A_331 = tpu.memref_slice %dma_wait3A_329[%dma_wait3A_330] : memref<16384xi32, #tpu.memory_space<hbm>> -> memref<9216xi32, #tpu.memory_space<hbm>>
    %dma_wait3A_332 = arith.constant 4096 : i32
    %dma_wait3A_333 = tpu.memref_slice %arg6[%dma_wait3A_332] : memref<13312xi32, #tpu.memory_space<vmem>> -> memref<9216xi32, #tpu.memory_space<vmem>>
    %dma_wait3A_334 = arith.constant 0 : i32
    %dma_wait3A_335 = tpu.memref_slice %arg2[%dma_wait3A_324, %dma_wait3A_334] : memref<26x16384xi32, #tpu.memory_space<hbm>> -> memref<1x16384xi32, #tpu.memory_space<hbm>>
    %dma_wait3A_336 = tpu.memref_squeeze %dma_wait3A_335 : memref<1x16384xi32, #tpu.memory_space<hbm>> -> memref<16384xi32, #tpu.memory_space<hbm>>
    %dma_wait3A_337 = arith.constant 4096 : i32
    %dma_wait3A_338 = tpu.memref_slice %dma_wait3A_336[%dma_wait3A_337] : memref<16384xi32, #tpu.memory_space<hbm>> -> memref<9216xi32, #tpu.memory_space<hbm>>
    tpu.wait_dma2 semaphore(%arg10 : memref<!tpu.dma_semaphore, #tpu.memory_space<semaphore_mem>>) src(%dma_wait3A_338 : memref<9216xi32, #tpu.memory_space<hbm>>) dst(%dma_wait3A_333 : memref<9216xi32, #tpu.memory_space<vmem>>)
    %barrier3A = arith.constant 0 : index
    tpu.barrier barrier_id(%barrier3A)
    %dma_start3A_339 = arith.constant 4096 : i32
    %dma_start3A_340 = tpu.memref_slice %arg7[%dma_start3A_339] : memref<13312xf32, #tpu.memory_space<vmem>> -> memref<1024xf32, #tpu.memory_space<vmem>>
    %dma_start3A_341 = arith.constant 4096 : i32
    %dma_start3A_342 = tpu.memref_slice %arg6[%dma_start3A_341] : memref<13312xi32, #tpu.memory_space<vmem>> -> memref<1024xi32, #tpu.memory_space<vmem>>
    %dma_start3A_343 = arith.constant 0 : i32
    %dma_start3A_344 = tpu.memref_slice %arg5[%dma_start3A_343] : memref<1300096xf32, #tpu.memory_space<vmem_shared>> -> memref<1300096xf32, #tpu.memory_space<vmem_shared>>
    tpu.enqueue_indirect_dma source(%dma_start3A_344 : memref<1300096xf32, #tpu.memory_space<vmem_shared>>) target(%dma_start3A_340 : memref<1024xf32, #tpu.memory_space<vmem>>) offsets(%dma_start3A_342 : memref<1024xi32, #tpu.memory_space<vmem>>) semaphore(%arg10 : memref<!tpu.dma_semaphore, #tpu.memory_space<semaphore_mem>>)
    %dma_start3A_345 = arith.constant 5120 : i32
    %dma_start3A_346 = tpu.memref_slice %arg7[%dma_start3A_345] : memref<13312xf32, #tpu.memory_space<vmem>> -> memref<1024xf32, #tpu.memory_space<vmem>>
    %dma_start3A_347 = arith.constant 5120 : i32
    %dma_start3A_348 = tpu.memref_slice %arg6[%dma_start3A_347] : memref<13312xi32, #tpu.memory_space<vmem>> -> memref<1024xi32, #tpu.memory_space<vmem>>
    %dma_start3A_349 = arith.constant 0 : i32
    %dma_start3A_350 = tpu.memref_slice %arg5[%dma_start3A_349] : memref<1300096xf32, #tpu.memory_space<vmem_shared>> -> memref<1300096xf32, #tpu.memory_space<vmem_shared>>
    tpu.enqueue_indirect_dma source(%dma_start3A_350 : memref<1300096xf32, #tpu.memory_space<vmem_shared>>) target(%dma_start3A_346 : memref<1024xf32, #tpu.memory_space<vmem>>) offsets(%dma_start3A_348 : memref<1024xi32, #tpu.memory_space<vmem>>) semaphore(%arg10 : memref<!tpu.dma_semaphore, #tpu.memory_space<semaphore_mem>>)
    %dma_start3A_351 = arith.constant 6144 : i32
    %dma_start3A_352 = tpu.memref_slice %arg7[%dma_start3A_351] : memref<13312xf32, #tpu.memory_space<vmem>> -> memref<1024xf32, #tpu.memory_space<vmem>>
    %dma_start3A_353 = arith.constant 6144 : i32
    %dma_start3A_354 = tpu.memref_slice %arg6[%dma_start3A_353] : memref<13312xi32, #tpu.memory_space<vmem>> -> memref<1024xi32, #tpu.memory_space<vmem>>
    %dma_start3A_355 = arith.constant 0 : i32
    %dma_start3A_356 = tpu.memref_slice %arg5[%dma_start3A_355] : memref<1300096xf32, #tpu.memory_space<vmem_shared>> -> memref<1300096xf32, #tpu.memory_space<vmem_shared>>
    tpu.enqueue_indirect_dma source(%dma_start3A_356 : memref<1300096xf32, #tpu.memory_space<vmem_shared>>) target(%dma_start3A_352 : memref<1024xf32, #tpu.memory_space<vmem>>) offsets(%dma_start3A_354 : memref<1024xi32, #tpu.memory_space<vmem>>) semaphore(%arg10 : memref<!tpu.dma_semaphore, #tpu.memory_space<semaphore_mem>>)
    %dma_start3A_357 = arith.constant 7168 : i32
    %dma_start3A_358 = tpu.memref_slice %arg7[%dma_start3A_357] : memref<13312xf32, #tpu.memory_space<vmem>> -> memref<1024xf32, #tpu.memory_space<vmem>>
    %dma_start3A_359 = arith.constant 7168 : i32
    %dma_start3A_360 = tpu.memref_slice %arg6[%dma_start3A_359] : memref<13312xi32, #tpu.memory_space<vmem>> -> memref<1024xi32, #tpu.memory_space<vmem>>
    %dma_start3A_361 = arith.constant 0 : i32
    %dma_start3A_362 = tpu.memref_slice %arg5[%dma_start3A_361] : memref<1300096xf32, #tpu.memory_space<vmem_shared>> -> memref<1300096xf32, #tpu.memory_space<vmem_shared>>
    tpu.enqueue_indirect_dma source(%dma_start3A_362 : memref<1300096xf32, #tpu.memory_space<vmem_shared>>) target(%dma_start3A_358 : memref<1024xf32, #tpu.memory_space<vmem>>) offsets(%dma_start3A_360 : memref<1024xi32, #tpu.memory_space<vmem>>) semaphore(%arg10 : memref<!tpu.dma_semaphore, #tpu.memory_space<semaphore_mem>>)
    %dma_start3A_363 = arith.constant 8192 : i32
    %dma_start3A_364 = tpu.memref_slice %arg7[%dma_start3A_363] : memref<13312xf32, #tpu.memory_space<vmem>> -> memref<1024xf32, #tpu.memory_space<vmem>>
    %dma_start3A_365 = arith.constant 8192 : i32
    %dma_start3A_366 = tpu.memref_slice %arg6[%dma_start3A_365] : memref<13312xi32, #tpu.memory_space<vmem>> -> memref<1024xi32, #tpu.memory_space<vmem>>
    %dma_start3A_367 = arith.constant 0 : i32
    %dma_start3A_368 = tpu.memref_slice %arg5[%dma_start3A_367] : memref<1300096xf32, #tpu.memory_space<vmem_shared>> -> memref<1300096xf32, #tpu.memory_space<vmem_shared>>
    tpu.enqueue_indirect_dma source(%dma_start3A_368 : memref<1300096xf32, #tpu.memory_space<vmem_shared>>) target(%dma_start3A_364 : memref<1024xf32, #tpu.memory_space<vmem>>) offsets(%dma_start3A_366 : memref<1024xi32, #tpu.memory_space<vmem>>) semaphore(%arg10 : memref<!tpu.dma_semaphore, #tpu.memory_space<semaphore_mem>>)
    %dma_start3A_369 = arith.constant 9216 : i32
    %dma_start3A_370 = tpu.memref_slice %arg7[%dma_start3A_369] : memref<13312xf32, #tpu.memory_space<vmem>> -> memref<1024xf32, #tpu.memory_space<vmem>>
    %dma_start3A_371 = arith.constant 9216 : i32
    %dma_start3A_372 = tpu.memref_slice %arg6[%dma_start3A_371] : memref<13312xi32, #tpu.memory_space<vmem>> -> memref<1024xi32, #tpu.memory_space<vmem>>
    %dma_start3A_373 = arith.constant 0 : i32
    %dma_start3A_374 = tpu.memref_slice %arg5[%dma_start3A_373] : memref<1300096xf32, #tpu.memory_space<vmem_shared>> -> memref<1300096xf32, #tpu.memory_space<vmem_shared>>
    tpu.enqueue_indirect_dma source(%dma_start3A_374 : memref<1300096xf32, #tpu.memory_space<vmem_shared>>) target(%dma_start3A_370 : memref<1024xf32, #tpu.memory_space<vmem>>) offsets(%dma_start3A_372 : memref<1024xi32, #tpu.memory_space<vmem>>) semaphore(%arg10 : memref<!tpu.dma_semaphore, #tpu.memory_space<semaphore_mem>>)
    %dma_start3A_375 = arith.constant 10240 : i32
    %dma_start3A_376 = tpu.memref_slice %arg7[%dma_start3A_375] : memref<13312xf32, #tpu.memory_space<vmem>> -> memref<1024xf32, #tpu.memory_space<vmem>>
    %dma_start3A_377 = arith.constant 10240 : i32
    %dma_start3A_378 = tpu.memref_slice %arg6[%dma_start3A_377] : memref<13312xi32, #tpu.memory_space<vmem>> -> memref<1024xi32, #tpu.memory_space<vmem>>
    %dma_start3A_379 = arith.constant 0 : i32
    %dma_start3A_380 = tpu.memref_slice %arg5[%dma_start3A_379] : memref<1300096xf32, #tpu.memory_space<vmem_shared>> -> memref<1300096xf32, #tpu.memory_space<vmem_shared>>
    tpu.enqueue_indirect_dma source(%dma_start3A_380 : memref<1300096xf32, #tpu.memory_space<vmem_shared>>) target(%dma_start3A_376 : memref<1024xf32, #tpu.memory_space<vmem>>) offsets(%dma_start3A_378 : memref<1024xi32, #tpu.memory_space<vmem>>) semaphore(%arg10 : memref<!tpu.dma_semaphore, #tpu.memory_space<semaphore_mem>>)
    %dma_start3A_381 = arith.constant 11264 : i32
    %dma_start3A_382 = tpu.memref_slice %arg7[%dma_start3A_381] : memref<13312xf32, #tpu.memory_space<vmem>> -> memref<1024xf32, #tpu.memory_space<vmem>>
    %dma_start3A_383 = arith.constant 11264 : i32
    %dma_start3A_384 = tpu.memref_slice %arg6[%dma_start3A_383] : memref<13312xi32, #tpu.memory_space<vmem>> -> memref<1024xi32, #tpu.memory_space<vmem>>
    %dma_start3A_385 = arith.constant 0 : i32
    %dma_start3A_386 = tpu.memref_slice %arg5[%dma_start3A_385] : memref<1300096xf32, #tpu.memory_space<vmem_shared>> -> memref<1300096xf32, #tpu.memory_space<vmem_shared>>
    tpu.enqueue_indirect_dma source(%dma_start3A_386 : memref<1300096xf32, #tpu.memory_space<vmem_shared>>) target(%dma_start3A_382 : memref<1024xf32, #tpu.memory_space<vmem>>) offsets(%dma_start3A_384 : memref<1024xi32, #tpu.memory_space<vmem>>) semaphore(%arg10 : memref<!tpu.dma_semaphore, #tpu.memory_space<semaphore_mem>>)
    %dma_start3A_387 = arith.constant 12288 : i32
    %dma_start3A_388 = tpu.memref_slice %arg7[%dma_start3A_387] : memref<13312xf32, #tpu.memory_space<vmem>> -> memref<1024xf32, #tpu.memory_space<vmem>>
    %dma_start3A_389 = arith.constant 12288 : i32
    %dma_start3A_390 = tpu.memref_slice %arg6[%dma_start3A_389] : memref<13312xi32, #tpu.memory_space<vmem>> -> memref<1024xi32, #tpu.memory_space<vmem>>
    %dma_start3A_391 = arith.constant 0 : i32
    %dma_start3A_392 = tpu.memref_slice %arg5[%dma_start3A_391] : memref<1300096xf32, #tpu.memory_space<vmem_shared>> -> memref<1300096xf32, #tpu.memory_space<vmem_shared>>
    tpu.enqueue_indirect_dma source(%dma_start3A_392 : memref<1300096xf32, #tpu.memory_space<vmem_shared>>) target(%dma_start3A_388 : memref<1024xf32, #tpu.memory_space<vmem>>) offsets(%dma_start3A_390 : memref<1024xi32, #tpu.memory_space<vmem>>) semaphore(%arg10 : memref<!tpu.dma_semaphore, #tpu.memory_space<semaphore_mem>>)
    %dma_wait3A_393 = arith.constant 4096 : i32
    %dma_wait3A_394 = tpu.memref_slice %arg7[%dma_wait3A_393] : memref<13312xf32, #tpu.memory_space<vmem>> -> memref<9216xf32, #tpu.memory_space<vmem>>
    %dma_wait3A_395 = arith.constant 4096 : i32
    %dma_wait3A_396 = tpu.memref_slice %arg6[%dma_wait3A_395] : memref<13312xi32, #tpu.memory_space<vmem>> -> memref<9216xi32, #tpu.memory_space<vmem>>
    %dma_wait3A_397 = arith.constant 0 : i32
    %dma_wait3A_398 = tpu.memref_slice %arg5[%dma_wait3A_397] : memref<1300096xf32, #tpu.memory_space<vmem_shared>> -> memref<1300096xf32, #tpu.memory_space<vmem_shared>>
    tpu.wait_indirect_dma semaphore(%arg10 : memref<!tpu.dma_semaphore, #tpu.memory_space<semaphore_mem>>) src(%dma_wait3A_398 : memref<1300096xf32, #tpu.memory_space<vmem_shared>>) dst(%dma_wait3A_394 : memref<9216xf32, #tpu.memory_space<vmem>>)
    %dma_wait3A_399 = arith.constant 0 : i32
    %dma_wait3A_400 = arith.constant 0 : i32
    %dma_wait3A_401 = tpu.memref_slice %arg7[%dma_wait3A_400] : memref<13312xf32, #tpu.memory_space<vmem>> -> memref<4096xf32, #tpu.memory_space<vmem>>
    %dma_wait3A_402 = arith.constant 0 : i32
    %dma_wait3A_403 = tpu.memref_slice %arg6[%dma_wait3A_402] : memref<13312xi32, #tpu.memory_space<vmem>> -> memref<4096xi32, #tpu.memory_space<vmem>>
    %dma_wait3A_404 = arith.constant 0 : i32
    %dma_wait3A_405 = tpu.memref_slice %arg3[%dma_wait3A_399, %dma_wait3A_404] : memref<1x2600000xf32, #tpu.memory_space<hbm>> -> memref<1x2600000xf32, #tpu.memory_space<hbm>>
    %dma_wait3A_406 = tpu.memref_squeeze %dma_wait3A_405 : memref<1x2600000xf32, #tpu.memory_space<hbm>> -> memref<2600000xf32, #tpu.memory_space<hbm>>
    %dma_wait3A_407 = tpu.memref_slice %dma_wait3A_406[%mul3A_0] : memref<2600000xf32, #tpu.memory_space<hbm>> -> memref<1300032xf32, #tpu.memory_space<hbm>>
    %dma_wait3A_408 = arith.constant 0 : i32
    %dma_wait3A_409 = tpu.memref_slice %dma_wait3A_407[%dma_wait3A_408] : memref<1300032xf32, #tpu.memory_space<hbm>> -> memref<1300032xf32, #tpu.memory_space<hbm>>
    tpu.wait_indirect_dma semaphore(%arg11 : memref<!tpu.dma_semaphore, #tpu.memory_space<semaphore_mem>>) src(%dma_wait3A_409 : memref<1300032xf32, #tpu.memory_space<hbm>>) dst(%dma_wait3A_401 : memref<4096xf32, #tpu.memory_space<vmem>>)
    %scan3A = arith.constant 0 : i32
    %scan3A_410 = arith.constant 0 : i32
    %scan3A_411 = arith.constant 64 : i32
    %scan3A_412 = arith.addi %scan3A_410, %scan3A_411 : i32
    %scan3A_413 = arith.constant 1 : i32
    %scan3A_414 = scf.for %scan3A_418 = %scan3A_410 to %scan3A_412 step %scan3A_413 iter_args(%scan3A_419 = %scan3A) -> (i32)  : i32 {
      %mul3A_420 = arith.constant 16 : i32
      %mul3A_421 = arith.muli %scan3A_418, %mul3A_420 : i32
      %get3A = arith.index_cast %mul3A_421 : i32 to index
      %get3A_422 = tpu.vector_load %arg7[%get3A] {strides = array<i32>} : memref<13312xf32, #tpu.memory_space<vmem>>, vector<16xf32>,
      %get3A_423 = vector.shape_cast %get3A_422 : vector<16xf32> to vector<16xf32>
      %add3A_424 = arith.constant 1024 : i32
      %add3A_425 = arith.addi %add3A_424, %mul3A_421 : i32
      %get3A_426 = arith.index_cast %add3A_425 : i32 to index
      %get3A_427 = tpu.vector_load %arg7[%get3A_426] {strides = array<i32>} : memref<13312xf32, #tpu.memory_space<vmem>>, vector<16xf32>,
      %get3A_428 = vector.shape_cast %get3A_427 : vector<16xf32> to vector<16xf32>
      %add3A_429 = arith.addf %get3A_423, %get3A_428 : vector<16xf32>
      %add3A_430 = arith.constant 2048 : i32
      %add3A_431 = arith.addi %add3A_430, %mul3A_421 : i32
      %get3A_432 = arith.index_cast %add3A_431 : i32 to index
      %get3A_433 = tpu.vector_load %arg7[%get3A_432] {strides = array<i32>} : memref<13312xf32, #tpu.memory_space<vmem>>, vector<16xf32>,
      %get3A_434 = vector.shape_cast %get3A_433 : vector<16xf32> to vector<16xf32>
      %add3A_435 = arith.addf %add3A_429, %get3A_434 : vector<16xf32>
      %add3A_436 = arith.constant 3072 : i32
      %add3A_437 = arith.addi %add3A_436, %mul3A_421 : i32
      %get3A_438 = arith.index_cast %add3A_437 : i32 to index
      %get3A_439 = tpu.vector_load %arg7[%get3A_438] {strides = array<i32>} : memref<13312xf32, #tpu.memory_space<vmem>>, vector<16xf32>,
      %get3A_440 = vector.shape_cast %get3A_439 : vector<16xf32> to vector<16xf32>
      %add3A_441 = arith.addf %add3A_435, %get3A_440 : vector<16xf32>
      %add3A_442 = arith.constant 4096 : i32
      %add3A_443 = arith.addi %add3A_442, %mul3A_421 : i32
      %get3A_444 = arith.index_cast %add3A_443 : i32 to index
      %get3A_445 = tpu.vector_load %arg7[%get3A_444] {strides = array<i32>} : memref<13312xf32, #tpu.memory_space<vmem>>, vector<16xf32>,
      %get3A_446 = vector.shape_cast %get3A_445 : vector<16xf32> to vector<16xf32>
      %add3A_447 = arith.addf %add3A_441, %get3A_446 : vector<16xf32>
      %add3A_448 = arith.constant 5120 : i32
      %add3A_449 = arith.addi %add3A_448, %mul3A_421 : i32
      %get3A_450 = arith.index_cast %add3A_449 : i32 to index
      %get3A_451 = tpu.vector_load %arg7[%get3A_450] {strides = array<i32>} : memref<13312xf32, #tpu.memory_space<vmem>>, vector<16xf32>,
      %get3A_452 = vector.shape_cast %get3A_451 : vector<16xf32> to vector<16xf32>
      %add3A_453 = arith.addf %add3A_447, %get3A_452 : vector<16xf32>
      %add3A_454 = arith.constant 6144 : i32
      %add3A_455 = arith.addi %add3A_454, %mul3A_421 : i32
      %get3A_456 = arith.index_cast %add3A_455 : i32 to index
      %get3A_457 = tpu.vector_load %arg7[%get3A_456] {strides = array<i32>} : memref<13312xf32, #tpu.memory_space<vmem>>, vector<16xf32>,
      %get3A_458 = vector.shape_cast %get3A_457 : vector<16xf32> to vector<16xf32>
      %add3A_459 = arith.addf %add3A_453, %get3A_458 : vector<16xf32>
      %add3A_460 = arith.constant 7168 : i32
      %add3A_461 = arith.addi %add3A_460, %mul3A_421 : i32
      %get3A_462 = arith.index_cast %add3A_461 : i32 to index
      %get3A_463 = tpu.vector_load %arg7[%get3A_462] {strides = array<i32>} : memref<13312xf32, #tpu.memory_space<vmem>>, vector<16xf32>,
      %get3A_464 = vector.shape_cast %get3A_463 : vector<16xf32> to vector<16xf32>
      %add3A_465 = arith.addf %add3A_459, %get3A_464 : vector<16xf32>
      %add3A_466 = arith.constant 8192 : i32
      %add3A_467 = arith.addi %add3A_466, %mul3A_421 : i32
      %get3A_468 = arith.index_cast %add3A_467 : i32 to index
      %get3A_469 = tpu.vector_load %arg7[%get3A_468] {strides = array<i32>} : memref<13312xf32, #tpu.memory_space<vmem>>, vector<16xf32>,
      %get3A_470 = vector.shape_cast %get3A_469 : vector<16xf32> to vector<16xf32>
      %add3A_471 = arith.addf %add3A_465, %get3A_470 : vector<16xf32>
      %add3A_472 = arith.constant 9216 : i32
      %add3A_473 = arith.addi %add3A_472, %mul3A_421 : i32
      %get3A_474 = arith.index_cast %add3A_473 : i32 to index
      %get3A_475 = tpu.vector_load %arg7[%get3A_474] {strides = array<i32>} : memref<13312xf32, #tpu.memory_space<vmem>>, vector<16xf32>,
      %get3A_476 = vector.shape_cast %get3A_475 : vector<16xf32> to vector<16xf32>
      %add3A_477 = arith.addf %add3A_471, %get3A_476 : vector<16xf32>
      %add3A_478 = arith.constant 10240 : i32
      %add3A_479 = arith.addi %add3A_478, %mul3A_421 : i32
      %get3A_480 = arith.index_cast %add3A_479 : i32 to index
      %get3A_481 = tpu.vector_load %arg7[%get3A_480] {strides = array<i32>} : memref<13312xf32, #tpu.memory_space<vmem>>, vector<16xf32>,
      %get3A_482 = vector.shape_cast %get3A_481 : vector<16xf32> to vector<16xf32>
      %add3A_483 = arith.addf %add3A_477, %get3A_482 : vector<16xf32>
      %add3A_484 = arith.constant 11264 : i32
      %add3A_485 = arith.addi %add3A_484, %mul3A_421 : i32
      %get3A_486 = arith.index_cast %add3A_485 : i32 to index
      %get3A_487 = tpu.vector_load %arg7[%get3A_486] {strides = array<i32>} : memref<13312xf32, #tpu.memory_space<vmem>>, vector<16xf32>,
      %get3A_488 = vector.shape_cast %get3A_487 : vector<16xf32> to vector<16xf32>
      %add3A_489 = arith.addf %add3A_483, %get3A_488 : vector<16xf32>
      %add3A_490 = arith.constant 12288 : i32
      %add3A_491 = arith.addi %add3A_490, %mul3A_421 : i32
      %get3A_492 = arith.index_cast %add3A_491 : i32 to index
      %get3A_493 = tpu.vector_load %arg7[%get3A_492] {strides = array<i32>} : memref<13312xf32, #tpu.memory_space<vmem>>, vector<16xf32>,
      %get3A_494 = vector.shape_cast %get3A_493 : vector<16xf32> to vector<16xf32>
      %add3A_495 = arith.addf %add3A_489, %get3A_494 : vector<16xf32>
      %swap3A = arith.index_cast %mul3A_421 : i32 to index
      %swap3A_496 = tpu.vector_load %arg8[%swap3A] {strides = array<i32>} : memref<1024xf32, #tpu.memory_space<vmem>>, vector<16xf32>,
      %swap3A_497 = vector.shape_cast %swap3A_496 : vector<16xf32> to vector<16xf32>
      %swap3A_498 = vector.shape_cast %add3A_495 : vector<16xf32> to vector<16xf32>
      tpu.vector_store %arg8[%swap3A], %swap3A_498 {strides = array<i32>} : memref<1024xf32, #tpu.memory_space<vmem>>, vector<16xf32>,
      %scan3A_499 = arith.constant 0 : i32
      scf.yield %scan3A_499 : i32
    }
    %scan3A_415 = arith.constant 64 : i32
    %mul3A_416 = arith.constant 1024 : i32
    %mul3A_417 = arith.muli %arg1, %mul3A_416 : i32
    "tpu.region"() ({
      %run_scoped3A = tpu.sem_alloc : memref<!tpu.dma_semaphore, #tpu.memory_space<semaphore_mem>>
      %dma_start3A_418 = arith.constant 0 : i32
      %dma_start3A_419 = tpu.memref_slice %arg4[%arg0, %dma_start3A_418] : memref<2x16384xf32, #tpu.memory_space<hbm>> -> memref<1x16384xf32, #tpu.memory_space<hbm>>
      %dma_start3A_420 = tpu.memref_squeeze %dma_start3A_419 : memref<1x16384xf32, #tpu.memory_space<hbm>> -> memref<16384xf32, #tpu.memory_space<hbm>>
      %dma_start3A_421 = tpu.memref_slice %dma_start3A_420[%mul3A_417] : memref<16384xf32, #tpu.memory_space<hbm>> -> memref<1024xf32, #tpu.memory_space<hbm>>
      %dma_start3A_422 = arith.constant 0 : i32
      %dma_start3A_423 = tpu.memref_slice %arg4[%arg0, %dma_start3A_422] : memref<2x16384xf32, #tpu.memory_space<hbm>> -> memref<1x16384xf32, #tpu.memory_space<hbm>>
      %dma_start3A_424 = tpu.memref_squeeze %dma_start3A_423 : memref<1x16384xf32, #tpu.memory_space<hbm>> -> memref<16384xf32, #tpu.memory_space<hbm>>
      %dma_start3A_425 = tpu.memref_slice %dma_start3A_424[%mul3A_417] : memref<16384xf32, #tpu.memory_space<hbm>> -> memref<1024xf32, #tpu.memory_space<hbm>>
      tpu.enqueue_dma source(%arg8 : memref<1024xf32, #tpu.memory_space<vmem>>) target(%dma_start3A_425 : memref<1024xf32, #tpu.memory_space<hbm>>) target_semaphore(%run_scoped3A : memref<!tpu.dma_semaphore, #tpu.memory_space<semaphore_mem>>)
      %dma_wait3A_426 = arith.constant 0 : i32
      %dma_wait3A_427 = tpu.memref_slice %arg4[%arg0, %dma_wait3A_426] : memref<2x16384xf32, #tpu.memory_space<hbm>> -> memref<1x16384xf32, #tpu.memory_space<hbm>>
      %dma_wait3A_428 = tpu.memref_squeeze %dma_wait3A_427 : memref<1x16384xf32, #tpu.memory_space<hbm>> -> memref<16384xf32, #tpu.memory_space<hbm>>
      %dma_wait3A_429 = tpu.memref_slice %dma_wait3A_428[%mul3A_417] : memref<16384xf32, #tpu.memory_space<hbm>> -> memref<1024xf32, #tpu.memory_space<hbm>>
      %dma_wait3A_430 = arith.constant 0 : i32
      %dma_wait3A_431 = tpu.memref_slice %arg4[%arg0, %dma_wait3A_430] : memref<2x16384xf32, #tpu.memory_space<hbm>> -> memref<1x16384xf32, #tpu.memory_space<hbm>>
      %dma_wait3A_432 = tpu.memref_squeeze %dma_wait3A_431 : memref<1x16384xf32, #tpu.memory_space<hbm>> -> memref<16384xf32, #tpu.memory_space<hbm>>
      %dma_wait3A_433 = tpu.memref_slice %dma_wait3A_432[%mul3A_417] : memref<16384xf32, #tpu.memory_space<hbm>> -> memref<1024xf32, #tpu.memory_space<hbm>>
      tpu.wait_dma2 semaphore(%run_scoped3A : memref<!tpu.dma_semaphore, #tpu.memory_space<semaphore_mem>>) src(%arg8 : memref<1024xf32, #tpu.memory_space<vmem>>) dst(%dma_wait3A_433 : memref<1024xf32, #tpu.memory_space<hbm>>)
      tpu.yield
    }) : () -> ()
    return
  }
}

</mosaic_0001>

<sc_bundles>
// kernel: kernel.3.cloned.1.call-start
scs
__scs_entry_jumppad:
0x0: {  	(pc) =	sbr.rel $0x88, $3  }
0x1: {  	(tag) =	ssettag $0x0;
	lr =	simm.s32 $0x1  }
0x2: {  	[smem:$0x3F9E] =	sst lr;
	_ =	strace $0xD0000000  }
0x3: {  	_ = 	snop  }
0x4: {  	_ = 	snop  }
0x5: {  	_ = 	snop  }
0x6: {  	_ = 	snop  }
0x7: {  	_ = 	snop  }
__scs_overlays_trampoline_lowered:
0x8: {  	[smem:$0x3FAD] =	sst s0  }
0x9: {  	[smem:$0x3FAE] =	sst s1  }
0xa: {  	[smem:$0x3FAF] =	sst s2  }
0xb: {  	[smem:$0x3FB0] =	sst s3  }
0xc: {  	[smem:$0x3FB1] =	sst s4  }
0xd: {  	[smem:$0x3FB2] =	sst s5  }
0xe: {  	[smem:$0x3FB3] =	sst s6  }
0xf: {  	[smem:$0x3FB4] =	sst s7  }
0x10: {  	[smem:$0x3FB5] =	sst s8  }
0x11: {  	[smem:$0x3FB6] =	sst s9;
	s0 =	simm.s32 @!p0 $0x0  }
0x12: {  	s1 =	sld [smem:$0x3F9C];
	s0 =	simm.s32 @p0 $0x1  }
0x13: {  	[smem:$0x3FB7] =	sst s0;
	s0 =	simm.s32 @!p1 $0x0  }
0x14: {  	s2 =	sld [smem:$0x3F9B];
	s0 =	simm.s32 @p1 $0x1  }
0x15: {  	[smem:$0x3FB8] =	sst s0;
	s0 =	simm.s32 @!p2 $0x0  }
0x16: {  	s3 =	sld [smem:$0x3FDB];
	s0 =	simm.s32 @p2 $0x1  }
0x17: {  	s4 =	simm.s32 $0x1BF5;
	[smem:$0x3FBA] =	sst s0  }
0x18: {  	s0 =	sld [smem:$0x3F9D];
	_ =	swait.ge [sflag:s4], $0x0  }
0x19: {  	s7 =	sld [smem:$0x3F9E]  }
0x1a: {  	s8 =	sadd.s32 $0xFFFFE003, lr  }
0x1b: {  	s9 =	sadd.s32 $0xFFFFFEF7, lr;
	s5 =	simm.s32 $0xFFFFFFFF;
	p2 =	slt.u32 s8, $0xFFFFF086  }
0x1c: {  	p1 =	slt.u32 s9, $0xF7A;
	s5 =	simm.s32 @!p2 $0x0  }
0x1d: {  	s5 =	simm.s32 @p1 $0x1;
	p0 =	seq.s32 s7, s2  }
0x1e: {  	s7 =	smul.u32 @!p0 $0xF7A, s2;
	p2 =	seq.s32 @!p0 s5, $0x0  }
0x1f: {  	s9 =	smul.u32 $0xF7A, s1;
	s8 =	simm.s32 @!p0 $0x1BF5;
	p2 =	por !p2, p0  }
0x20: {  	[sflag:s8] =	ssyncset.s32 @!p0 $0xFFFFF086;
	s6 =	sadd.s32 @!p0 s3, s7;
	s7 =	simm.s32 @!p0 $0x108  }
0x21: {  	s3 =	sadd.s32 s3, s9;
	s6 =	sadd.s32 @!p0 $0x88, s6;
	s7 =	simm.s32 @p2 $0x1082  }
0x22: {  	[simem:s7], [sflag:s8] =	dma.local @!p0 [hbm:s6], $0xF7A  }
0x23: {  	s9 =	sor.u32 $0xD0000000, s2;
	s6 =	simm.s32 $0x108;
	_ =	swait.ge @!p0 [sflag:s8], $0x0  }
0x24: {  	s3 =	sadd.s32 $0x88, s3;
	s6 =	simm.s32 @!p1 $0x1082;
	[sflag:s4] =	ssyncset.s32 $0xFFFFF086  }
0x25: {  	[simem:s6], [sflag:s4] =	dma.local [hbm:s3], $0xF7A  }
0x26: {  	[smem:$0x3F9E] =	sst s1;
	(tag) =	ssettag s2;
	_ =	strace s9  }
0x27: {  	s1 =	sld [smem:$0x3FAE]  }
0x28: {  	s2 =	sld [smem:$0x3FAF]  }
0x29: {  	s4 =	sld [smem:$0x3FB1]  }
0x2a: {  	p0 =	seq.s32 s5, $0x0;
	s5 =	sld [smem:$0x3FB2]  }
0x2b: {  	s6 =	sld [smem:$0x3FB3]  }
0x2c: {  	s7 =	sld [smem:$0x3FB4]  }
0x2d: {  	s3 =	simm.s32 $0x108;
	s8 =	sld [smem:$0x3FB5]  }
0x2e: {  	s3 =	simm.s32 @!p0 $0x1082;
	s9 =	sld [smem:$0x3FB6]  }
0x2f: {  	lr =	sadd.s32 s0, s3;
	s0 =	sld [smem:$0x3FAD]  }
0x30: {  	s3 =	sld [smem:$0x3FB0]  }
0x31: {  	[smem:$0x3FB9] =	sst s10  }
0x32: {  	s10 =	sld [smem:$0x3FB7];
	_ =	sdelay $0x3  }
0x33: {  	p0 =	seq.s32 s10, $0x1;
	s10 =	sld [smem:$0x3FB9];
	_ =	sdelay $0x3  }
0x34: {  	[smem:$0x3FB9] =	sst s10  }
0x35: {  	s10 =	sld [smem:$0x3FB8];
	_ =	sdelay $0x3  }
0x36: {  	p1 =	seq.s32 s10, $0x1;
	s10 =	sld [smem:$0x3FB9];
	_ =	sdelay $0x3  }
0x37: {  	[smem:$0x3FB9] =	sst s10  }
0x38: {  	s10 =	sld [smem:$0x3FBA]  }
0x39: {  	_ = 	snop;
	(pc) =	sbr.ind lr, $3  }
0x3a: {  	_ = 	snop  }
0x3b: {  	_ = 	snop  }
0x3c: {  	p2 =	seq.s32 s10, $0x1;
	s10 =	sld [smem:$0x3FB9]  }
0x3d: {  	_ =	shalt  }
0x3e: {  	_ =	shalt  }
0x3f: {  	_ =	shalt  }
0x40: {  	_ =	shalt  }
0x41: {  	_ =	shalt  }
0x42: {  	_ =	shalt  }
0x43: {  	_ =	shalt  }
0x44: {  	_ =	shalt  }
0x45: {  	_ =	shalt  }
0x46: {  	_ =	shalt  }
0x47: {  	_ =	shalt  }
0x48: {  	_ =	shalt  }
0x49: {  	_ =	shalt  }
0x4a: {  	_ =	shalt  }
0x4b: {  	_ =	shalt  }
0x4c: {  	_ =	shalt  }
0x4d: {  	_ =	shalt  }
0x4e: {  	_ =	shalt  }
0x4f: {  	_ =	shalt  }
0x50: {  	_ =	shalt  }
0x51: {  	_ =	shalt  }
0x52: {  	_ =	shalt  }
0x53: {  	_ =	shalt  }
0x54: {  	_ =	shalt  }
0x55: {  	_ =	shalt  }
0x56: {  	_ =	shalt  }
0x57: {  	_ =	shalt  }
0x58: {  	_ =	shalt  }
0x59: {  	_ =	shalt  }
0x5a: {  	_ =	shalt  }
0x5b: {  	_ =	shalt  }
0x5c: {  	_ =	shalt  }
0x5d: {  	_ =	shalt  }
0x5e: {  	_ =	shalt  }
0x5f: {  	_ =	shalt  }
0x60: {  	_ =	shalt  }
0x61: {  	_ =	shalt  }
0x62: {  	_ =	shalt  }
0x63: {  	_ =	shalt  }
0x64: {  	_ =	shalt  }
0x65: {  	_ =	shalt  }
0x66: {  	_ =	shalt  }
0x67: {  	_ =	shalt  }
0x68: {  	_ =	shalt  }
0x69: {  	_ =	shalt  }
0x6a: {  	_ =	shalt  }
0x6b: {  	_ =	shalt  }
0x6c: {  	_ =	shalt  }
0x6d: {  	_ =	shalt  }
0x6e: {  	_ =	shalt  }
0x6f: {  	_ =	shalt  }
0x70: {  	_ =	shalt  }
0x71: {  	_ =	shalt  }
0x72: {  	_ =	shalt  }
0x73: {  	_ =	shalt  }
0x74: {  	_ =	shalt  }
0x75: {  	_ =	shalt  }
0x76: {  	_ =	shalt  }
0x77: {  	_ =	shalt  }
0x78: {  	_ =	shalt  }
0x79: {  	_ =	shalt  }
0x7a: {  	_ =	shalt  }
0x7b: {  	_ =	shalt  }
0x7c: {  	_ =	shalt  }
0x7d: {  	_ =	shalt  }
0x7e: {  	_ =	shalt  }
0x7f: {  	_ =	shalt  }
0x80: {  	_ =	shalt  }
0x81: {  	_ =	shalt  }
0x82: {  	_ =	shalt  }
0x83: {  	_ =	shalt  }
0x84: {  	_ =	shalt  }
0x85: {  	_ =	shalt  }
0x86: {  	_ =	shalt  }
0x87: {  	_ =	shalt  }
.Lfunc_end0:
.L_simem_size_0:
called_computation_lowered:
.L_overlay_start_0:
0x88: {  	s2 =	sld [smem:$0x3FD9]  }
0x89: {  	s3 =	sld [smem:$0x3FFE];
	_ =	sdelay $0x1  }
0x8a: {  	s1 =	srdreg.scid  }
0x8b: {  	s0 =	sand.u32 $0x1, s1  }
0x8c: {  	s17 =	sshll.u32 s0, $0xA;
	s2 =	sadd.s32 s3, s2  }
0x8d: {  	s2 =	sadd.s32 s2, s17  }
0x8e: {  	[smem:$0x3FC5] =	sst s2  }
0x8f: {  	_ = 	snop  }
0x90: {  	s2 =	sld [smem:$0x3FC8];
	(tm) =	ssettm $0x1  }
0x91: {  	s18 =	sld [smem:$0x3FFB];
	_ =	sdelay $0x3  }
0x92: {  	_ =	strace s18  }
0x93: {  	s3 =	sld [smem:$0x3FFC];
	_ =	sdelay $0x3  }
0x94: {  	_ =	strace s3  }
0x95: {  	s3 =	sld [smem:$0x3FFD];
	_ =	sdelay $0x3  }
0x96: {  	_ =	strace s3  }
0x97: {  	_ =	strace $0x8FFFFFFF  }
0x98: {  	s19 =	sld [smem:$0x3FDB];
	_ =	sdelay $0x1  }
0x99: {  	s4 =	simm.s32 $_scs_section_size  }
0x9a: {  	s5 =	simm.s32 $_size__tile_overlayer_lowered;
	s6 =	simm.s32 $_tile_overlayer_lowered  }
0x9b: {  	s22 =	simm.s32 $0x1BFF;
	s21 =	sshll.u32 s6, $0x1;
	s3 =	sadd.s32 s4, s19  }
0x9c: {  	s7 =	simm.s32 $0x0;
	s20 =	sshll.u32 s5, $0x1;
	s5 =	sadd.s32 s21, s3  }
0x9d: {  	[timem:s7], [sflag:s22] =	dma.local [hbm:s5], s20  }
0x9e: {  	_ =	swait.ge [sflag:s22], s20  }
0x9f: {  	s4 =	ssub.s32 $0x0, s20;
	[sflag:s22] =	ssyncset.done $0x0  }
0xa0: {  	[sflag:s22] =	ssyncadd.s32 s4;
	_ =	sdelay $0x1  }
0xa1: {  	s23 =	simm.s32 $0x1B8B  }
0xa2: {  	_ =	swait.ge [sflag:s23], $0x1  }
0xa3: {  	[sflag:s23] =	ssyncset.done $0x0  }
0xa4: {  	s25 =	simm.s32 $0x1B8E;
	s24 =	sld [smem:$0x3FFE];
	[sflag:s23] =	ssyncadd.s32 $0xFFFFFFFF  }
0xa5: {  	s26 =	simm.s32 $execute0_lowered;
	[smem:$0x3FD2] =	sst s25  }
0xa6: {  	s5 =	sshll.u32 s26, $0x1;
	_ =	strace $0x80000046;
	[dreg:$0x1] =	wrdreg $0xFFFFFFFF  }
0xa7: {  	s28 =	simm.s32 $_size_execute0_lowered;
	s3 =	sadd.s32 s3, s5;
	[dreg:$0x0] =	wrdreg $0x0  }
0xa8: {  	s5 =	sshll.u32 s28, $0x1;
	[dreg:$0x2] =	wrdreg s3  }
0xa9: {  	[dreg:$0x3] =	wrdreg s5  }
0xaa: {  	[dreg:$0x4] =	wrdreg $0xC0  }
0xab: {  	_ =	task [dreg:s7], $0x5FFFF  }
0xac: {  	[dreg:$0x1] =	wrdreg $0xFFFFFFFF  }
0xad: {  	[dreg:$0x0] =	wrdreg $0x60  }
0xae: {  	[dreg:$0x2] =	wrdreg s24  }
0xaf: {  	[dreg:$0x3] =	wrdreg s2  }
0xb0: {  	[dreg:$0x4] =	wrdreg $0x0  }
0xb1: {  	[dreg:$0x5] =	wrdreg $0x9  }
0xb2: {  	_ =	task.clear_ibuf [dreg:s7], $0x6FFFF;
	_ =	strace $0x90000046  }
0xb3: {  	s29 =	simm.s32 $0x9;
	_ =	strace $0x80000048  }
0xb4: {  	_ =	swait.ge [sflag:s29], $0x1  }
0xb5: {  	[sflag:s29] =	ssyncadd.s32 $0xFFFFFFFF  }
0xb6: {  	_ =	strace $0x90000048  }
0xb7: {  	_ =	sfence  }
0xb8: {  	s30 =	sld [smem:$0x0];
	_ =	sdelay $0x2  }
0xb9: {  	s31 =	sshll.u32 s1, $0xD;
	s1 =	sshrl.u32 s1, $0x2  }
0xba: {  	s3 =	sand.u32 $0x4000, s31;
	s1 =	sadd.s32 s1, s30  }
0xbb: {  	s0 =	sor.u32 s3, s0;
	s1 =	sshll.u32 s1, $0x11  }
0xbc: {  	s0 =	sor.u32 s1, s0  }
0xbd: {  	s0 =	sadd.s32 $0x8F2B, s0  }
0xbe: {  	[sflag:s0] =	ssyncadd.remote.s32 $0x1  }
0xbf: {  	_ =	sfence.sel $0xFFFF  }
0xc0: {  	[dreg:$0x0] =	wrdreg $0xFFFFFFFF;
	(pc) =	sbr.abs _section_cstart, $3  }
0xc1: {  	[dreg:$0x1] =	wrdreg $0xFFFFFFFF  }
0xc2: {  	_ =	task.clear_ibuf [dreg:s7], $0x2FFFF;
	_ =	strace $0x9FFFFFFF  }
0xc3: {  	(tm) =	ssettm $0x7FFFFFFF  }
tec
execute0_lowered:
.L_overlay_start_1:
0x0: {  	(tag) =	ssettag $0x1  }
0x1: {  	s3 =	rddreg [dreg:$0x0]  }
0x2: {  	s0 =	rddreg [dreg:$0x1]  }
0x3: {  	s1 =	rddreg [dreg:$0x2];
	s4 =	simm.s32 $0x0;
	s2 =	srdreg.scid  }
0x4: {  	s15 =	stileid.u32;
	s28 =	simm.s32 $0x80;
	s29 =	simm.s32 $0x400  }
0x5: {  	s30 =	simm.s32 $0x13D68;
	s31 =	simm.s32 $0x14168;
	s2 =	sand.u32 $0x1, s2  }
0x6: {  	[smem:$0x7FF] =	sst s4;
	s5 =	sadd.s32 $0x400, s3;
	s6 =	smul.u32 $0x34000, s2  }
0x7: {  	p0 =	seq.s32 s15, $0x0;
	_ =	strace $0x80000047;
	s7 =	smul.u32 $0x280, s2  }
0x8: {  	s13 =	sshll.u32 s2, $0x4;
	s14 =	ssub.s32 $0x2, s2;
	s8 =	smul.u32 $0xD, s2  }
0x9: {  	p3 =	seq.s32 s2, $0x1;
	s4 =	sadd.s32 s13, s3;
	s10 =	sshrl.u32 s14, $0x1  }
0xa: {  	p0 =	por !p0, !p3;
	s6 =	sand.u32 $0x20000, s6;
	s3 =	ssub.s32 s14, s10  }
0xb: {  	s11 =	sadd.s32 $0x1, s8;
	s12 =	sadd.s32 $0x2, s8;
	s20 =	sadd.s32 $0x3, s8  }
0xc: {  	s24 =	sadd.s32 $0x4, s8;
	s26 =	sadd.s32 $0x5, s8;
	p1 =	por !p0, !p0  }
0xd: {  	s4 =	sadd.s32 $0x10400, s4;
	p0 =	sne.s32 s15, $0xF;
	s9 =	sor.u32 s7, s6  }
0xe: {  	s7 =	sshll.u32 s15, $0xA;
	s17 =	sshll.u32 s11, $0x4;
	s11 =	sshll.u32 s11, $0xB  }
0xf: {  	s13 =	sshll.u32 s12, $0x4;
	s18 =	sshll.u32 s12, $0xB;
	s22 =	sshll.u32 s20, $0x4  }
0x10: {  	s23 =	sshll.u32 s20, $0xB;
	s25 =	sshll.u32 s24, $0xB;
	s14 =	sshll.u32 s26, $0x4  }
0x11: {  	p2 =	sne.s32 @!p0 s2, $0x0;
	p1 =	por !p1, !p0;
	p3 =	por !p3, p0  }
0x12: {  	s6 =	sshrl.u32 s9, $0x3;
	s11 =	sand.u32 $0xC000, s11;
	s19 =	sand.u32 $0x70, s13  }
0x13: {  	s13 =	sshll.u32 s26, $0xB;
	s14 =	sand.u32 $0x70, s14;
	s9 =	sadd.s32 $0x20000, s9  }
0x14: {  	p2 =	por p2, p0;
	s16 =	sadd.s32 s5, s6;
	s6 =	smul.u32 $0x13D600, s2  }
0x15: {  	s12 =	sadd.s32 s5, s19;
	s13 =	sand.u32 $0xC000, s13;
	s14 =	sadd.s32 s5, s14  }
0x16: {  	s9 =	sshrl.u32 s9, $0x3;
	s2 =	simm.s32 $0x14968;
	s10 =	sadd.s32 s7, s16  }
0x17: {  	s13 =	sadd.s32 s13, s14;
	s16 =	sadd.s32 $0x6, s8;
	s9 =	sadd.s32 s5, s9  }
0x18: {  	[dreg:$0x4] =	wrdreg s10;
	s10 =	sand.u32 $0x70, s17;
	s14 =	sadd.s32 s7, s13  }
0x19: {  	s9 =	sadd.s32 s7, s9;
	s10 =	sadd.s32 s5, s10;
	[dreg:$0x9] =	wrdreg s14  }
0x1a: {  	s17 =	sshll.u32 s16, $0xB;
	[dreg:$0xc] =	wrdreg s9;
	s10 =	sadd.s32 s11, s10  }
0x1b: {  	s11 =	sand.u32 $0xC000, s18;
	s18 =	sadd.s32 $0x7, s8;
	s10 =	sadd.s32 s7, s10  }
0x1c: {  	s21 =	sadd.s32 s11, s12;
	s11 =	sand.u32 $0x70, s22;
	s12 =	sshll.u32 s24, $0x4  }
0x1d: {  	s19 =	sshll.u32 s18, $0x4;
	[dreg:$0x5] =	wrdreg s10;
	s10 =	sadd.s32 s7, s21  }
0x1e: {  	s11 =	sadd.s32 s5, s11;
	s12 =	sand.u32 $0x70, s12;
	s13 =	sand.u32 $0x70, s19  }
0x1f: {  	s19 =	sshrl.u32 s6, $0x3;
	[dreg:$0x6] =	wrdreg s10;
	s10 =	sand.u32 $0xC000, s23  }
0x20: {  	s12 =	sadd.s32 s5, s12;
	s21 =	sadd.s32 s5, s13;
	s23 =	sadd.s32 $0x9, s8  }
0x21: {  	s10 =	sadd.s32 s10, s11;
	s11 =	sand.u32 $0xC000, s25;
	s24 =	sshll.u32 s23, $0xB  }
0x22: {  	s25 =	sadd.s32 $0xA, s8;
	s10 =	sadd.s32 s7, s10;
	s12 =	sadd.s32 s11, s12  }
0x23: {  	s11 =	sand.u32 $0xC000, s17;
	s26 =	sshll.u32 s25, $0x4;
	[dreg:$0x7] =	wrdreg s10  }
0x24: {  	s10 =	sadd.s32 s7, s12;
	s12 =	sshll.u32 s18, $0xB;
	s13 =	sand.u32 $0x70, s26  }
0x25: {  	s26 =	sadd.s32 $0x25350, s0;
	[dreg:$0x8] =	wrdreg s10;
	s10 =	sshll.u32 s16, $0x4  }
0x26: {  	s20 =	sand.u32 $0xC000, s12;
	s12 =	sshll.u32 s25, $0xB;
	s13 =	sadd.s32 s5, s13  }
0x27: {  	s16 =	sadd.s32 $0xB, s8;
	s8 =	sadd.s32 $0xC, s8;
	[dreg:$0x15] =	wrdreg s26  }
0x28: {  	s26 =	sadd.s32 $0x129A80, s1;
	s10 =	sand.u32 $0x70, s10;
	s22 =	sadd.s32 s20, s21  }
0x29: {  	s12 =	sand.u32 $0xC000, s12;
	s17 =	sshll.u32 s16, $0xB;
	s18 =	sshll.u32 s8, $0x4  }
0x2a: {  	s8 =	sshll.u32 s8, $0xB;
	s20 =	smul.u32 $0x13D80, s15;
	s10 =	sadd.s32 s5, s10  }
0x2b: {  	s13 =	sadd.s32 s12, s13;
	s8 =	sand.u32 $0xC000, s8;
	s12 =	simm.s32 $0x2  }
0x2c: {  	s10 =	sadd.s32 s11, s10;
	s11 =	sand.u32 $0xC000, s24;
	s14 =	sadd.s32 s7, s13  }
0x2d: {  	s21 =	sadd.s32 s20, s6;
	s6 =	sadd.s32 s20, s1;
	s24 =	sadd.s32 $0x13D580, s1  }
0x2e: {  	s13 =	simm.s32 $0x17168;
	s10 =	sadd.s32 s7, s10;
	[dreg:$0xe] =	wrdreg s14  }
0x2f: {  	[dreg:$0x13] =	wrdreg s24;
	s24 =	smax.u32 s3, $0x1;
	s3 =	simm.s32 $0x14D68  }
0x30: {  	s14 =	simm.s32 $0x1;
	[dreg:$0xa] =	wrdreg s10;
	s10 =	sadd.s32 s7, s22  }
0x31: {  	s22 =	sadd.s32 $0x4F570, s0;
	[dreg:$0xb] =	wrdreg s10;
	s10 =	sshll.u32 s23, $0x4  }
0x32: {  	[dreg:$0x12] =	wrdreg s22;
	s23 =	sshll.u32 s15, $0x8;
	s15 =	simm.s32 $0x1A568  }
0x33: {  	s10 =	sand.u32 $0x70, s10;
	s25 =	sadd.s32 s23, s4;
	s23 =	sadd.s32 $0x4CE10, s0  }
0x34: {  	s4 =	simm.s32 $0x15168;
	s10 =	sadd.s32 s5, s10;
	[dreg:$0x14] =	wrdreg s25  }
0x35: {  	s25 =	sshrl.u32 @p0 s6, $0x3;
	s6 =	simm.s32 $0x15968;
	s11 =	sadd.s32 s11, s10  }
0x36: {  	s10 =	sand.u32 $0xC000, s17;
	s17 =	sadd.s32 s0, s19;
	s9 =	sadd.s32 s7, s11  }
0x37: {  	s11 =	sand.u32 $0x70, s18;
	[dreg:$0xd] =	wrdreg s9;
	s9 =	sshll.u32 s16, $0x4  }
0x38: {  	s18 =	simm.s32 $0x0;
	s16 =	simm.s32 $0x3;
	s9 =	sand.u32 $0x70, s9  }
0x39: {  	s9 =	sadd.s32 s5, s9;
	s5 =	sadd.s32 s5, s11;
	s11 =	simm.s32 $0x16D68  }
0x3a: {  	s9 =	sadd.s32 s10, s9;
	s5 =	sadd.s32 s8, s5;
	s8 =	simm.s32 $0x16168  }
0x3b: {  	s10 =	simm.s32 $0x16968;
	s9 =	sadd.s32 s7, s9;
	s5 =	sadd.s32 s7, s5  }
0x3c: {  	s7 =	simm.s32 $0x15D68;
	[dreg:$0x10] =	wrdreg s5;
	s5 =	sshrl.u32 s21, $0x3  }
0x3d: {  	[dreg:$0xf] =	wrdreg s9;
	s9 =	simm.s32 $0x16568;
	s5 =	sadd.s32 s0, s5  }
0x3e: {  	s0 =	simm.s32 $0x14568;
	[dreg:$0x11] =	wrdreg s5;
	s5 =	simm.s32 $0x15568  }
.LBB2_1:
0x3f: {  	s19 =	rddreg [dreg:$0x4]  }
0x40: {  	[tilespmem:s30], [sflag:$0x2] =	stream.strided.gather [hbm4b:s19+s28], $0x400, s29, s28, $0x38;
	[tilespmem:$0x1AA68] =	vst v63  }
0x41: {  	s21 =	rddreg [dreg:$0x5]  }
0x42: {  	[tilespmem:s31], [sflag:$0x2] =	stream.strided.gather [hbm4b:s21+s28], $0x400, s29, s28, $0x38;
	[tilespmem:$0x1AA68] =	vst v63  }
0x43: {  	s22 =	rddreg [dreg:$0x6]  }
0x44: {  	[tilespmem:s0], [sflag:$0x2] =	stream.strided.gather [hbm4b:s22+s28], $0x400, s29, s28, $0x38;
	[tilespmem:$0x1AA68] =	vst v63  }
0x45: {  	s20 =	rddreg [dreg:$0x7]  }
0x46: {  	[tilespmem:s2], [sflag:$0x2] =	stream.strided.gather [hbm4b:s20+s28], $0x400, s29, s28, $0x38;
	[tilespmem:$0x1AA68] =	vst v63  }
0x47: {  	s21 =	rddreg [dreg:$0x8]  }
0x48: {  	[tilespmem:s3], [sflag:$0x1] =	stream.strided.gather [hbm4b:s21+s28], $0x400, s29, s28, $0x38;
	[tilespmem:$0x1AA68] =	vst v63  }
0x49: {  	s22 =	rddreg [dreg:$0x9]  }
0x4a: {  	[tilespmem:s4], [sflag:$0x1] =	stream.strided.gather [hbm4b:s22+s28], $0x400, s29, s28, $0x38;
	[tilespmem:$0x1AA68] =	vst v63  }
0x4b: {  	s20 =	rddreg [dreg:$0xa]  }
0x4c: {  	[tilespmem:s5], [sflag:$0x1] =	stream.strided.gather [hbm4b:s20+s28], $0x400, s29, s28, $0x38;
	[tilespmem:$0x1AA68] =	vst v63  }
0x4d: {  	s21 =	rddreg [dreg:$0xb]  }
0x4e: {  	[tilespmem:s6], [sflag:$0x1] =	stream.strided.gather [hbm4b:s21+s28], $0x400, s29, s28, $0x38;
	[tilespmem:$0x1AA68] =	vst v63  }
0x4f: {  	s22 =	rddreg [dreg:$0xc]  }
0x50: {  	[tilespmem:s7], [sflag:$0x1] =	stream.strided.gather [hbm4b:s22+s28], $0x400, s29, s28, $0x38;
	[tilespmem:$0x1AA68] =	vst v63  }
0x51: {  	s20 =	rddreg [dreg:$0xd]  }
0x52: {  	[tilespmem:s8], [sflag:$0x1] =	stream.strided.gather [hbm4b:s20+s28], $0x400, s29, s28, $0x38;
	[tilespmem:$0x1AA68] =	vst v63  }
0x53: {  	s21 =	rddreg [dreg:$0xe]  }
0x54: {  	[tilespmem:s9], [sflag:$0x1] =	stream.strided.gather [hbm4b:s21+s28], $0x400, s29, s28, $0x38;
	[tilespmem:$0x1AA68] =	vst v63  }
0x55: {  	s22 =	rddreg [dreg:$0xf]  }
0x56: {  	[tilespmem:s10], [sflag:$0x1] =	stream.strided.gather [hbm4b:s22+s28], $0x400, s29, s28, $0x38;
	[tilespmem:$0x1AA68] =	vst v63  }
0x57: {  	s20 =	rddreg [dreg:$0x10]  }
0x58: {  	[tilespmem:s11], [sflag:$0x1] =	stream.strided.gather [hbm4b:s20+s28], $0x400, s29, s28, $0x38;
	[tilespmem:$0x1AA68] =	vst v63  }
0x59: {  	_ =	swait.ge [sflag:s12], $0x1000  }
0x5a: {  	[sflag:s12] =	ssyncset.done $0x0  }
0x5b: {  	[sflag:s12] =	ssyncadd.s32 $0xFFFFF000  }
0x5c: {  	[tilespmem:s13], [sflag:$0x2] =	stream.indirect.gather [hbm4b:s17+s29], $0x1, s30, s29, $0xb8;
	[tilespmem:$0x1AA68] =	vst v63  }
0x5d: {  	s21 =	simm.s32 $0x17568  }
0x5e: {  	[tilespmem:s21], [sflag:$0x2] =	stream.indirect.gather [hbm4b:s17+s29], $0x1, s31, s29, $0xb8;
	[tilespmem:$0x1AA68] =	vst v63  }
0x5f: {  	s19 =	stileid.u32;
	s22 =	simm.s32 $0x17968  }
0x60: {  	[tilespmem:s22], [sflag:$0x2] =	stream.indirect.gather [hbm4b:s17+s29], $0x1, s0, s29, $0xb8;
	[tilespmem:$0x1AA68] =	vst v63  }
0x61: {  	s19 =	sshll.u32 @p0 s19, $0x6;
	s20 =	simm.s32 $0x17D68  }
0x62: {  	[tilespmem:s20], [sflag:$0x2] =	stream.indirect.gather [hbm4b:s17+s29], $0x1, s2, s29, $0xb8;
	[tilespmem:$0x1AA68] =	vst v63  }
0x63: {  	s19 =	sor.u32 @p0 $0x1C03, s19;
	s20 =	rddreg [dreg:$0x11]  }
0x64: {  	[spmem:s25], [sflag:s19] =	dma.local @p0 [hbm:s20], $0x27B0  }
0x65: {  	s19 =	simm.s32 @p0 $0x3  }
0x66: {  	_ =	swait.ge @p0 [sflag:s19], $0x27B0  }
0x67: {  	s20 =	simm.s32 @!p1 $0x1A968;
	[sflag:s19] =	ssyncset.done @p0 $0x0  }
0x68: {  	s21 =	rddreg [dreg:$0x12];
	[sflag:s19] =	ssyncadd.s32 @p0 $0xFFFFD850;
	s19 =	simm.s32 @!p1 $0x0  }
0x69: {  	[tilespmem:s20], [sflag:$0x3] =	stream.linear.gather @!p1 [hbm4b:s21+s19], $0xC0, $0x38;
	[tilespmem:$0x1AA68] =	vst v63  }
0x6a: {  	s19 =	simm.s32 @!p1 $0x3  }
0x6b: {  	_ =	swait.ge @!p1 [sflag:s19], $0xC0  }
0x6c: {  	[sflag:s19] =	ssyncset.done @!p1 $0x0  }
0x6d: {  	s21 =	rddreg [dreg:$0x13];
	[sflag:s19] =	ssyncadd.s32 @!p1 $0xFFFFFF40  }
0x6e: {  	[spmem:s21] =	stream.linear.scatter @!p1 [tilespmem:s20], [sflag:$0x3], $0xC0, $0x38;
	[tilespmem:$0x1AA68] =	vst v63  }
0x6f: {  	_ =	swait.ge @!p1 [sflag:s19], $0xC0  }
0x70: {  	s20 =	simm.s32 @!p2 $0x1FC3;
	[sflag:s19] =	ssyncset.done @!p1 $0x0  }
0x71: {  	s21 =	rddreg [dreg:$0x15];
	[sflag:s19] =	ssyncadd.s32 @!p1 $0xFFFFFF40;
	s19 =	sshrl.u32 @!p2 s26, $0x3  }
0x72: {  	[spmem:s19], [sflag:s20] =	dma.local @!p2 [hbm:s21], $0x2780  }
0x73: {  	s19 =	simm.s32 @!p2 $0x3  }
0x74: {  	_ =	swait.ge @!p2 [sflag:s19], $0x2780  }
0x75: {  	[sflag:s19] =	ssyncset.done @!p2 $0x0  }
0x76: {  	s20 =	simm.s32 @!p3 $0x1FC3;
	[sflag:s19] =	ssyncadd.s32 @!p2 $0xFFFFD880;
	s19 =	sshrl.u32 @!p3 s26, $0x3  }
0x77: {  	[spmem:s19], [sflag:s20] =	dma.local @!p3 [hbm:s23], $0x2770  }
0x78: {  	s19 =	simm.s32 @!p3 $0x3  }
0x79: {  	_ =	swait.ge @!p3 [sflag:s19], $0x2770  }
0x7a: {  	[sflag:s19] =	ssyncset.done @!p3 $0x0  }
0x7b: {  	[sflag:s19] =	ssyncadd.s32 @!p3 $0xFFFFD890  }
0x7c: {  	_ =	swait.ge [sflag:s14], $0x2400  }
0x7d: {  	[sflag:s14] =	ssyncset.done $0x0  }
0x7e: {  	[sflag:s14] =	ssyncadd.s32 $0xFFFFDC00  }
0x7f: {  	s21 =	simm.s32 $0x18168;
	[bflag:$0x0] =	sbarrier.arrive $0xFFFF  }
0x80: {  	[tilespmem:s21], [sflag:$0x1] =	stream.indirect.gather [spmem:s1], $0x1, s3, s29, $0xb8;
	[tilespmem:$0x1AA68] =	vst v63  }
0x81: {  	s22 =	simm.s32 $0x18568  }
0x82: {  	[tilespmem:s22], [sflag:$0x1] =	stream.indirect.gather [spmem:s1], $0x1, s4, s29, $0xb8;
	[tilespmem:$0x1AA68] =	vst v63  }
0x83: {  	s20 =	simm.s32 $0x18968  }
0x84: {  	[tilespmem:s20], [sflag:$0x1] =	stream.indirect.gather [spmem:s1], $0x1, s5, s29, $0xb8;
	[tilespmem:$0x1AA68] =	vst v63  }
0x85: {  	s21 =	simm.s32 $0x18D68  }
0x86: {  	[tilespmem:s21], [sflag:$0x1] =	stream.indirect.gather [spmem:s1], $0x1, s6, s29, $0xb8;
	[tilespmem:$0x1AA68] =	vst v63  }
0x87: {  	s22 =	simm.s32 $0x19168  }
0x88: {  	[tilespmem:s22], [sflag:$0x1] =	stream.indirect.gather [spmem:s1], $0x1, s7, s29, $0xb8;
	[tilespmem:$0x1AA68] =	vst v63  }
0x89: {  	s20 =	simm.s32 $0x19568  }
0x8a: {  	[tilespmem:s20], [sflag:$0x1] =	stream.indirect.gather [spmem:s1], $0x1, s8, s29, $0xb8;
	[tilespmem:$0x1AA68] =	vst v63  }
0x8b: {  	s21 =	simm.s32 $0x19968  }
0x8c: {  	[tilespmem:s21], [sflag:$0x1] =	stream.indirect.gather [spmem:s1], $0x1, s9, s29, $0xb8;
	[tilespmem:$0x1AA68] =	vst v63  }
0x8d: {  	s22 =	simm.s32 $0x19D68  }
0x8e: {  	[tilespmem:s22], [sflag:$0x1] =	stream.indirect.gather [spmem:s1], $0x1, s10, s29, $0xb8;
	[tilespmem:$0x1AA68] =	vst v63  }
0x8f: {  	s20 =	simm.s32 $0x1A168  }
0x90: {  	[tilespmem:s20], [sflag:$0x1] =	stream.indirect.gather [spmem:s1], $0x1, s11, s29, $0xb8;
	[tilespmem:$0x1AA68] =	vst v63  }
0x91: {  	_ =	swait.ge [sflag:s14], $0x2400  }
0x92: {  	[sflag:s14] =	ssyncset.done $0x0  }
0x93: {  	[sflag:s14] =	ssyncadd.s32 $0xFFFFDC00  }
0x94: {  	_ =	swait.ge [sflag:s12], $0x1000  }
0x95: {  	s21 =	simm.s32 $0x0;
	[sflag:s12] =	ssyncset.done $0x0  }
0x96: {  	s19 =	sand.u32 $0x3F0, s21;
	[sflag:s12] =	ssyncadd.s32 $0xFFFFF000  }
0x97: {  	v0 =	vld [tilespmem:s19+$0x17568]  }
0x98: {  	v1 =	vld [tilespmem:s13+$0x0];
	_ =	sdelay $0x1  }
0x99: {  	v2 =	vld [tilespmem:s19+$0x17968];
	_ =	sdelay $0x1  }
0x9a: {  	v3 =	vld [tilespmem:s19+$0x17D68]  }
0x9b: {  	v0 =	vadd.f32 v0, v1  }
0x9c: {  	v1 =	vld [tilespmem:s19+$0x18168]  }
0x9d: {  	v0 =	vadd.f32 v2, v0  }
0x9e: {  	v2 =	vld [tilespmem:s19+$0x18568]  }
0x9f: {  	v0 =	vadd.f32 v3, v0  }
0xa0: {  	v3 =	vld [tilespmem:s19+$0x18968]  }
0xa1: {  	v0 =	vadd.f32 v1, v0  }
0xa2: {  	v1 =	vld [tilespmem:s19+$0x18D68]  }
0xa3: {  	v0 =	vadd.f32 v2, v0  }
0xa4: {  	v2 =	vld [tilespmem:s19+$0x19168]  }
0xa5: {  	v0 =	vadd.f32 v3, v0  }
0xa6: {  	v3 =	vld [tilespmem:s19+$0x19568]  }
0xa7: {  	v0 =	vadd.f32 v1, v0  }
0xa8: {  	v1 =	vld [tilespmem:s19+$0x19968]  }
0xa9: {  	v0 =	vadd.f32 v2, v0  }
0xaa: {  	v2 =	vld [tilespmem:s19+$0x19D68]  }
0xab: {  	v0 =	vadd.f32 v3, v0  }
0xac: {  	v3 =	vld [tilespmem:s19+$0x1A168]  }
0xad: {  	v0 =	vadd.f32 v1, v0;
	_ =	sdelay $0x1  }
0xae: {  	v0 =	vadd.f32 v2, v0;
	_ =	sdelay $0x1  }
0xaf: {  	v0 =	vadd.f32 v3, v0  }
0xb0: {  	s22 =	simm.s32 $0x10  }
0xb1: {  	s20 =	sand.u32 $0x3F0, s22;
	[tilespmem:s15+$0x0] =	vst v0  }
0xb2: {  	s21 =	simm.s32 $0x17178;
	s22 =	simm.s32 $0x20;
	s19 =	simm.s32 $0x1A568;
	v0 =	vld [tilespmem:s20+$0x17568]  }
.LBB2_2:
0xb3: {  	p4 =	sne.s32 s22, $0x3F0;
	v1 =	vld [tilespmem:s21+$0x0];
	_ =	sdelay $0x1  }
0xb4: {  	v2 =	vld [tilespmem:s20+$0x17968];
	_ =	sdelay $0x1  }
0xb5: {  	v3 =	vld [tilespmem:s20+$0x17D68]  }
0xb6: {  	v0 =	vadd.f32 v0, v1  }
0xb7: {  	v1 =	vld [tilespmem:s20+$0x18168]  }
0xb8: {  	v0 =	vadd.f32 v2, v0  }
0xb9: {  	v2 =	vld [tilespmem:s20+$0x18568]  }
0xba: {  	v0 =	vadd.f32 v3, v0  }
0xbb: {  	v3 =	vld [tilespmem:s20+$0x18968]  }
0xbc: {  	v0 =	vadd.f32 v1, v0  }
0xbd: {  	v1 =	vld [tilespmem:s20+$0x18D68]  }
0xbe: {  	v0 =	vadd.f32 v2, v0  }
0xbf: {  	v2 =	vld [tilespmem:s20+$0x19168]  }
0xc0: {  	v0 =	vadd.f32 v3, v0  }
0xc1: {  	v3 =	vld [tilespmem:s20+$0x19568]  }
0xc2: {  	v0 =	vadd.f32 v1, v0  }
0xc3: {  	v1 =	vld [tilespmem:s20+$0x19968]  }
0xc4: {  	v0 =	vadd.f32 v2, v0  }
0xc5: {  	v2 =	vld [tilespmem:s20+$0x19D68]  }
0xc6: {  	v0 =	vadd.f32 v3, v0  }
0xc7: {  	v3 =	vld [tilespmem:s20+$0x1A168]  }
0xc8: {  	v0 =	vadd.f32 v1, v0;
	_ =	sdelay $0x1  }
0xc9: {  	v0 =	vadd.f32 v2, v0  }
.Ltmp0:
0xca: {  	(pc) =	sbr.rel @p4 .LBB2_2-.Ltmp0, $4  }
0xcb: {  	v0 =	vadd.f32 v3, v0  }
0xcc: {  	s19 =	sadd.s32 $0x10, s19  }
0xcd: {  	s20 =	sand.u32 $0x3F0, s22;
	[tilespmem:s19+$0x0] =	vst v0  }
0xce: {  	s21 =	sadd.s32 $0x10, s21;
	s22 =	sadd.s32 $0x10, s22;
	v0 =	vld [tilespmem:s20+$0x17568]  }
0xcf: {  	v1 =	vld [tilespmem:s21+$0x0];
	_ =	sdelay $0x1  }
0xd0: {  	v2 =	vld [tilespmem:s20+$0x17968];
	_ =	sdelay $0x1  }
0xd1: {  	v3 =	vld [tilespmem:s20+$0x17D68]  }
0xd2: {  	v0 =	vadd.f32 v0, v1  }
0xd3: {  	v55 =	vld [tilespmem:s20+$0x18168]  }
0xd4: {  	v0 =	vadd.f32 v2, v0  }
0xd5: {  	v56 =	vld [tilespmem:s20+$0x18568]  }
0xd6: {  	v0 =	vadd.f32 v3, v0  }
0xd7: {  	v57 =	vld [tilespmem:s20+$0x18968]  }
0xd8: {  	v0 =	vadd.f32 v55, v0  }
0xd9: {  	v58 =	vld [tilespmem:s20+$0x18D68]  }
0xda: {  	v0 =	vadd.f32 v56, v0  }
0xdb: {  	v59 =	vld [tilespmem:s20+$0x19168]  }
0xdc: {  	v0 =	vadd.f32 v57, v0  }
0xdd: {  	v60 =	vld [tilespmem:s20+$0x19568]  }
0xde: {  	v0 =	vadd.f32 v58, v0  }
0xdf: {  	v61 =	vld [tilespmem:s20+$0x19968]  }
0xe0: {  	v0 =	vadd.f32 v59, v0  }
0xe1: {  	v62 =	vld [tilespmem:s20+$0x19D68]  }
0xe2: {  	v0 =	vadd.f32 v60, v0  }
0xe3: {  	v63 =	vld [tilespmem:s20+$0x1A168]  }
0xe4: {  	v0 =	vadd.f32 v61, v0;
	_ =	sdelay $0x1  }
0xe5: {  	v0 =	vadd.f32 v62, v0;
	_ =	sdelay $0x1  }
0xe6: {  	s18 =	sadd.s32 $0x1, s18;
	v0 =	vadd.f32 v63, v0  }
0xe7: {  	s19 =	sadd.s32 $0x10, s19;
	p4 =	sne.s32 s18, s24  }
.Ltmp1:
0xe8: {  	s21 =	rddreg [dreg:$0x14];
	s22 =	simm.s32 $0x100;
	[tilespmem:s19+$0x0] =	vst v0;
	(pc) =	sbr.rel @p4 .LBB2_1-.Ltmp1, $4  }
0xe9: {  	[hbm4b:s21+s28] =	stream.strided.scatter [tilespmem:s15], [sflag:$0x3], $0x400, s22, s28, $0x38;
	[tilespmem:$0x1AA68] =	vst v63  }
0xea: {  	_ =	swait.ge [sflag:s16], $0x400  }
0xeb: {  	[sflag:s16] =	ssyncset.done $0x0  }
0xec: {  	[sflag:s16] =	ssyncadd.s32 $0xFFFFFC00  }
0xed: {  	_ =	sfence.sel $0x180000  }
0xee: {  	[bflag:$0x0] =	sbarrier.arrive $0xFFFF  }
0xef: {  	_ =	strace $0x90000047  }
0xf0: {  	s0 =	stileid.u32;
	[bflag:$0x2] =	sbarrier.arrive $0xFFFF  }
0xf1: {  	p0 =	sne.s32 s0, $0x0;
	s0 =	rddreg [dreg:$0x3]  }
0xf2: {  	s0 =	sadd.s32 @!p0 $0x100000, s0  }
0xf3: {  	[sflag:s0] =	ssyncadd.tile.s32 @!p0 $0x1;
	_ =	shalt  }
.Lfunc_end2:
_tile_overlayer_lowered:
.L_overlay_start_2:
0xf4: {  	(tag) =	ssettag $0x2  }
0xf5: {  	s0 =	rddreg [dreg:$0x0];
	s2 =	stileid.u32  }
0xf6: {  	s1 =	rddreg [dreg:$0x1];
	p0 =	sne.s32 s2, $0x0  }
0xf7: {  	s3 =	rddreg [dreg:$0x2];
	[bflag:$0x3] =	sbarrier.arrive $0xFFFF;
	s2 =	simm.s32 @!p0 $0x1C03  }
0xf8: {  	[timem:s3], [sflag:s2] =	dma.local @!p0 [hbm:s0], s1  }
0xf9: {  	s0 =	simm.s32 @!p0 $0x3  }
0xfa: {  	_ =	swait.ge @!p0 [sflag:s0], s1  }
0xfb: {  	s1 =	ssub.s32 @!p0 $0x0, s1;
	[sflag:s0] =	ssyncset.done @!p0 $0x0  }
0xfc: {  	[sflag:s0] =	ssyncadd.s32 @!p0 s1  }
0xfd: {  	[bflag:$0x3] =	sbarrier.arrive $0xFFFF  }
0xfe: {  	_ =	shalt  }

</sc_bundles>
